<compile_context>
chip_gen: v7x
topology: tpu7x:2x2x1
jax: 0.10.2.dev20260603
libtpu: 0.0.44.dev20260713+nightly
codegen_flags: <defaults>
</compile_context>

<pallas_src>
import functools
import math

import jax
import jax.numpy as jnp
from jax import lax
from jax.experimental import pallas as pl
from jax.experimental.pallas import tpu as pltpu
from jax.experimental.pallas import tpu_sc as plsc

TEMP = 0.05
_KB = 1024
_LOG2E = math.log2(math.e)


def _sc_gather(targets_i32, f0, f1, f2):
    B = targets_i32.shape[0]
    D = f0.shape[1]
    info = plsc.get_sparse_core_info()
    nw = info.num_cores * info.num_subcores
    bpw = B // nw
    mesh = plsc.VectorSubcoreMesh(core_axis_name="c", subcore_axis_name="s")

    @functools.partial(
        pl.kernel, mesh=mesh,
        out_type=[jax.ShapeDtypeStruct((B, D), jnp.float32)] * 3,
        scratch_types=[
            pltpu.VMEM((bpw,), jnp.int32),
            pltpu.VMEM((bpw, D), jnp.float32),
            pltpu.SemaphoreType.DMA,
        ],
    )
    def gk(t_hbm, f0_hbm, f1_hbm, f2_hbm, o0, o1, o2, idx_v, rows_v, sem):
        wid = lax.axis_index("s") * info.num_cores + lax.axis_index("c")
        base = wid * bpw
        pltpu.sync_copy(t_hbm.at[pl.ds(base, bpw)], idx_v)
        for f_hbm, o_hbm in ((f0_hbm, o0), (f1_hbm, o1), (f2_hbm, o2)):
            pltpu.async_copy(f_hbm.at[idx_v], rows_v, sem).wait()
            pltpu.sync_copy(rows_v, o_hbm.at[pl.ds(base, bpw)])

    return gk(targets_i32, f0, f1, f2)


def _norm_rows(x):
    n = jnp.sqrt(jnp.sum(x * x, axis=1, keepdims=True))
    return x / jnp.maximum(n, 1e-12)


def _main_body(x_ref, g0_ref, g1_ref, g2_ref, f0_ref, f1_ref, f2_ref,
               out_ref, xsb_ref, s_ref, *, K, nkb):
    B = x_ref.shape[1]
    D = x_ref.shape[2]
    k = pl.program_id(0)
    n_pad = nkb * _KB - K

    @pl.when(k == 0)
    def _init():
        for i in range(3):
            xsb_ref[i] = (_norm_rows(x_ref[i])
                          * (_LOG2E / TEMP)).astype(jnp.bfloat16)
        s_ref[...] = jnp.zeros_like(s_ref)

    col0 = k * _KB
    row_id = lax.broadcasted_iota(jnp.int32, (_KB, D), 0) + col0
    for i, f_ref in enumerate((f0_ref, f1_ref, f2_ref)):
        fb = jnp.where(row_id < K, f_ref[...], 0.0).astype(jnp.bfloat16)
        l2 = lax.dot_general(xsb_ref[i], fb, (((1,), (1,)), ((), ())),
                             preferred_element_type=jnp.float32)
        e = jnp.exp2(l2)
        s_part = e[:, :128]
        for c in range(1, _KB // 128):
            s_part = s_part + e[:, c * 128:(c + 1) * 128]
        s_ref[i] += s_part

    @pl.when(k == nkb - 1)
    def _fini():
        ce = 0.0
        xn = [_norm_rows(x_ref[i]) for i in range(3)]
        for i, g_ref in enumerate((g0_ref, g1_ref, g2_ref)):
            s_row = jnp.sum(s_ref[i], axis=1, keepdims=True) - float(n_pad)
            tgt = jnp.sum(xn[i] * g_ref[...], axis=1,
                          keepdims=True) * (1.0 / TEMP)
            ce += jnp.sum(jnp.log(s_row) - tgt) / B
        x1, x2 = xn[1], xn[2]
        m1 = jnp.max(x1, axis=1, keepdims=True)
        m2 = jnp.max(x2, axis=1, keepdims=True)
        e1 = jnp.exp(x1 - m1)
        e2 = jnp.exp(x2 - m2)
        z1 = jnp.sum(e1, axis=1, keepdims=True)
        z2 = jnp.sum(e2, axis=1, keepdims=True)
        p1 = e1 / z1
        p2 = e2 / z2
        lp1 = (x1 - m1) - jnp.log(z1)
        lp2 = (x2 - m2) - jnp.log(z2)
        lm = jnp.log((p1 + p2) * 0.5)
        kl1 = jnp.sum(p1 * (lp1 - lm))
        kl2 = jnp.sum(p2 * (lp2 - lm))
        out_ref[0, 0] = ce + 0.5 * (kl1 + kl2)



def _run(inputs, targets, f0, f1, f2):
    _, B, D = inputs.shape
    K = f0.shape[0]
    nkb = pl.cdiv(K, _KB)
    t1d = targets.astype(jnp.int32).reshape(B)
    g0, g1, g2 = _sc_gather(t1d, f0, f1, f2)

    body = functools.partial(_main_body, K=K, nkb=nkb)
    out = pl.pallas_call(
        body,
        grid=(nkb,),
        in_specs=[
            pl.BlockSpec((3, B, D), lambda k: (0, 0, 0)),
            pl.BlockSpec((B, D), lambda k: (0, 0)),
            pl.BlockSpec((B, D), lambda k: (0, 0)),
            pl.BlockSpec((B, D), lambda k: (0, 0)),
            pl.BlockSpec((_KB, D), lambda k: (k, 0)),
            pl.BlockSpec((_KB, D), lambda k: (k, 0)),
            pl.BlockSpec((_KB, D), lambda k: (k, 0)),
        ],
        out_specs=pl.BlockSpec(memory_space=pltpu.SMEM),
        out_shape=jax.ShapeDtypeStruct((1, 1), jnp.float32),
        scratch_shapes=[
            pltpu.VMEM((3, B, D), jnp.bfloat16),
            pltpu.VMEM((3, B, 128), jnp.float32),
        ],
        compiler_params=pltpu.CompilerParams(
            dimension_semantics=("arbitrary",)),
    )(inputs, g0, g1, g2, f0, f1, f2)
    return out[0, 0]


def kernel(inputs, targets, predict_features, global_p1_features,
           global_p2_features):
    return _run(inputs, targets, predict_features, global_p1_features,
                global_p2_features)

# --- scband reference (transcript-rebuilt; emitter-appended) ---
"""Pipeline reference for scband-cluster-memory-78984448573994 (READ-ONLY COPY).

The authoritative reference and input builder live on the scoring server;
editing this copy changes nothing except your own understanding.
"""

import jax, jax.numpy as jnp
import numpy as np

TEMP = 0.05
B = 4096
D = 128
K = 100000


def _normalize(x):
    n = jnp.linalg.norm(x, axis=1, keepdims=True)
    return x / jnp.maximum(n, 1e-12)


def _cross_entropy(logits, targets):
    logp = jax.nn.log_softmax(logits, axis=-1)
    nll = -jnp.take_along_axis(logp, targets[:, None], axis=1)[:, 0]
    return jnp.mean(nll)


def setup_inputs(seed: int = 0) -> dict:
    key = jax.random.key(seed)
    k1, k2, k3, k4, k5 = jax.random.split(key, 5)
    inputs = jax.random.normal(k1, (3, B, D), dtype=jnp.float32)
    targets = jax.random.randint(k2, (B,), 0, K, dtype=jnp.int64)

    def mk_table(k):
        f = jax.random.normal(k, (K, D), dtype=jnp.float32)
        return f / jnp.linalg.norm(f, axis=1, keepdims=True)

    return {
        "inputs": inputs,
        "targets": targets,
        "predict_features": mk_table(k3),
        "global_p1_features": mk_table(k4),
        "global_p2_features": mk_table(k5),
    }


def reference(inputs, targets, predict_features, global_p1_features, global_p2_features):
    # F.normalize(inputs[i], dim=1) for the three views
    x0 = _normalize(inputs[0])
    x1 = _normalize(inputs[1])
    x2 = _normalize(inputs[2])

    def cal_loss(x, feats):
        # CM_Ori.forward: inputs.mm(features.t()), then /= temp, then CE
        out = jnp.matmul(x, feats.T) / TEMP
        return _cross_entropy(out, targets)

    loss_predict = cal_loss(x0, predict_features)
    loss_p1_g = cal_loss(x1, global_p1_features)
    loss_p2_l = cal_loss(x2, global_p2_features)

    p1 = jax.nn.softmax(x1, axis=-1)
    p2 = jax.nn.softmax(x2, axis=-1)
    log_mean = jnp.log((p1 + p2) / 2.0)
    # torch F.kl_div(input=log_mean, target=p, reduction='sum') = sum(p * (log p - log_mean))
    kl1 = jnp.sum(p1 * (jnp.log(p1) - log_mean))
    kl2 = jnp.sum(p2 * (jnp.log(p2) - log_mean))
    loss_js = (kl1 + kl2) / 2.0

    loss = loss_predict + loss_p1_g + loss_p2_l + loss_js
    return loss

if __name__ == "__main__":
    import jax
    _d = setup_inputs()
    print(jax.jit(kernel)(*tuple(_d.values())))

</pallas_src>

<mosaic_0001>
#map = affine_map<(d0, d1) -> (0)>
#map1 = affine_map<(d0, d1) -> (0, 0)>
module attributes {stable_mosaic.version = 14 : i64} {
  func.func @gk(%arg0: i32, %arg1: i32, %arg2: memref<4096xi32, #tpu.memory_space<hbm>>, %arg3: memref<100000x128xf32, #tpu.memory_space<hbm>>, %arg4: memref<100000x128xf32, #tpu.memory_space<hbm>>, %arg5: memref<100000x128xf32, #tpu.memory_space<hbm>>, %arg6: memref<4096x128xf32, #tpu.memory_space<hbm>>, %arg7: memref<4096x128xf32, #tpu.memory_space<hbm>>, %arg8: memref<4096x128xf32, #tpu.memory_space<hbm>>, %arg9: memref<128xi32, #tpu.memory_space<vmem>>, %arg10: memref<128x128xf32, #tpu.memory_space<vmem>>, %arg11: memref<!tpu.dma_semaphore, #tpu.memory_space<semaphore_mem>>) attributes {dimension_semantics = [#tpu.dimension_semantics<core_parallel>, #tpu.dimension_semantics<subcore_parallel>], iteration_bounds = array<i64: 2, 16>, scalar_prefetch = 0 : i64, scratch_operands = 3 : i64, tpu.core_type = #tpu.core_type<sc_vector_subcore>, window_params = [{transform_indices = #map}, {transform_indices = #map1}, {transform_indices = #map1}, {transform_indices = #map1}, {transform_indices = #map1}, {transform_indices = #map1}, {transform_indices = #map1}]} {
    %mul3A = arith.constant 2 : i32
    %mul3A_0 = arith.muli %arg1, %mul3A : i32
    %add3A = arith.addi %mul3A_0, %arg0 : i32
    %mul3A_1 = arith.constant 128 : i32
    %mul3A_2 = arith.muli %add3A, %mul3A_1 : i32
    "tpu.region"() ({
      %run_scoped3A = tpu.sem_alloc : memref<!tpu.dma_semaphore, #tpu.memory_space<semaphore_mem>>
      %dma_start3A_19 = tpu.memref_slice %arg2[%mul3A_2] : memref<4096xi32, #tpu.memory_space<hbm>> -> memref<128xi32, #tpu.memory_space<hbm>>
      %dma_start3A_20 = tpu.memref_slice %arg2[%mul3A_2] : memref<4096xi32, #tpu.memory_space<hbm>> -> memref<128xi32, #tpu.memory_space<hbm>>
      tpu.enqueue_dma source(%dma_start3A_20 : memref<128xi32, #tpu.memory_space<hbm>>) target(%arg9 : memref<128xi32, #tpu.memory_space<vmem>>) target_semaphore(%run_scoped3A : memref<!tpu.dma_semaphore, #tpu.memory_space<semaphore_mem>>)
      %dma_wait3A_21 = tpu.memref_slice %arg2[%mul3A_2] : memref<4096xi32, #tpu.memory_space<hbm>> -> memref<128xi32, #tpu.memory_space<hbm>>
      %dma_wait3A_22 = tpu.memref_slice %arg2[%mul3A_2] : memref<4096xi32, #tpu.memory_space<hbm>> -> memref<128xi32, #tpu.memory_space<hbm>>
      tpu.wait_dma2 semaphore(%run_scoped3A : memref<!tpu.dma_semaphore, #tpu.memory_space<semaphore_mem>>) src(%dma_wait3A_22 : memref<128xi32, #tpu.memory_space<hbm>>) dst(%arg9 : memref<128xi32, #tpu.memory_space<vmem>>)
      tpu.yield
    }) : () -> ()
    %dma_start3A = arith.constant 0 : i32
    %dma_start3A_3 = arith.constant 0 : i32
    %dma_start3A_4 = tpu.memref_slice %arg3[%dma_start3A, %dma_start3A_3] : memref<100000x128xf32, #tpu.memory_space<hbm>> -> memref<100000x128xf32, #tpu.memory_space<hbm>>
    tpu.enqueue_indirect_dma source(%dma_start3A_4 : memref<100000x128xf32, #tpu.memory_space<hbm>>) target(%arg10 : memref<128x128xf32, #tpu.memory_space<vmem>>) offsets(%arg9 : memref<128xi32, #tpu.memory_space<vmem>>) semaphore(%arg11 : memref<!tpu.dma_semaphore, #tpu.memory_space<semaphore_mem>>)
    %dma_wait3A = arith.constant 0 : i32
    %dma_wait3A_5 = arith.constant 0 : i32
    %dma_wait3A_6 = tpu.memref_slice %arg3[%dma_wait3A, %dma_wait3A_5] : memref<100000x128xf32, #tpu.memory_space<hbm>> -> memref<100000x128xf32, #tpu.memory_space<hbm>>
    tpu.wait_indirect_dma semaphore(%arg11 : memref<!tpu.dma_semaphore, #tpu.memory_space<semaphore_mem>>) src(%dma_wait3A_6 : memref<100000x128xf32, #tpu.memory_space<hbm>>) dst(%arg10 : memref<128x128xf32, #tpu.memory_space<vmem>>)
    "tpu.region"() ({
      %run_scoped3A = tpu.sem_alloc : memref<!tpu.dma_semaphore, #tpu.memory_space<semaphore_mem>>
      %dma_start3A_19 = arith.constant 0 : i32
      %dma_start3A_20 = tpu.memref_slice %arg6[%mul3A_2, %dma_start3A_19] : memref<4096x128xf32, #tpu.memory_space<hbm>> -> memref<128x128xf32, #tpu.memory_space<hbm>>
      %dma_start3A_21 = arith.constant 0 : i32
      %dma_start3A_22 = tpu.memref_slice %arg6[%mul3A_2, %dma_start3A_21] : memref<4096x128xf32, #tpu.memory_space<hbm>> -> memref<128x128xf32, #tpu.memory_space<hbm>>
      tpu.enqueue_dma source(%arg10 : memref<128x128xf32, #tpu.memory_space<vmem>>) target(%dma_start3A_22 : memref<128x128xf32, #tpu.memory_space<hbm>>) target_semaphore(%run_scoped3A : memref<!tpu.dma_semaphore, #tpu.memory_space<semaphore_mem>>)
      %dma_wait3A_23 = arith.constant 0 : i32
      %dma_wait3A_24 = tpu.memref_slice %arg6[%mul3A_2, %dma_wait3A_23] : memref<4096x128xf32, #tpu.memory_space<hbm>> -> memref<128x128xf32, #tpu.memory_space<hbm>>
      %dma_wait3A_25 = arith.constant 0 : i32
      %dma_wait3A_26 = tpu.memref_slice %arg6[%mul3A_2, %dma_wait3A_25] : memref<4096x128xf32, #tpu.memory_space<hbm>> -> memref<128x128xf32, #tpu.memory_space<hbm>>
      tpu.wait_dma2 semaphore(%run_scoped3A : memref<!tpu.dma_semaphore, #tpu.memory_space<semaphore_mem>>) src(%arg10 : memref<128x128xf32, #tpu.memory_space<vmem>>) dst(%dma_wait3A_26 : memref<128x128xf32, #tpu.memory_space<hbm>>)
      tpu.yield
    }) : () -> ()
    %dma_start3A_7 = arith.constant 0 : i32
    %dma_start3A_8 = arith.constant 0 : i32
    %dma_start3A_9 = tpu.memref_slice %arg4[%dma_start3A_7, %dma_start3A_8] : memref<100000x128xf32, #tpu.memory_space<hbm>> -> memref<100000x128xf32, #tpu.memory_space<hbm>>
    tpu.enqueue_indirect_dma source(%dma_start3A_9 : memref<100000x128xf32, #tpu.memory_space<hbm>>) target(%arg10 : memref<128x128xf32, #tpu.memory_space<vmem>>) offsets(%arg9 : memref<128xi32, #tpu.memory_space<vmem>>) semaphore(%arg11 : memref<!tpu.dma_semaphore, #tpu.memory_space<semaphore_mem>>)
    %dma_wait3A_10 = arith.constant 0 : i32
    %dma_wait3A_11 = arith.constant 0 : i32
    %dma_wait3A_12 = tpu.memref_slice %arg4[%dma_wait3A_10, %dma_wait3A_11] : memref<100000x128xf32, #tpu.memory_space<hbm>> -> memref<100000x128xf32, #tpu.memory_space<hbm>>
    tpu.wait_indirect_dma semaphore(%arg11 : memref<!tpu.dma_semaphore, #tpu.memory_space<semaphore_mem>>) src(%dma_wait3A_12 : memref<100000x128xf32, #tpu.memory_space<hbm>>) dst(%arg10 : memref<128x128xf32, #tpu.memory_space<vmem>>)
    "tpu.region"() ({
      %run_scoped3A = tpu.sem_alloc : memref<!tpu.dma_semaphore, #tpu.memory_space<semaphore_mem>>
      %dma_start3A_19 = arith.constant 0 : i32
      %dma_start3A_20 = tpu.memref_slice %arg7[%mul3A_2, %dma_start3A_19] : memref<4096x128xf32, #tpu.memory_space<hbm>> -> memref<128x128xf32, #tpu.memory_space<hbm>>
      %dma_start3A_21 = arith.constant 0 : i32
      %dma_start3A_22 = tpu.memref_slice %arg7[%mul3A_2, %dma_start3A_21] : memref<4096x128xf32, #tpu.memory_space<hbm>> -> memref<128x128xf32, #tpu.memory_space<hbm>>
      tpu.enqueue_dma source(%arg10 : memref<128x128xf32, #tpu.memory_space<vmem>>) target(%dma_start3A_22 : memref<128x128xf32, #tpu.memory_space<hbm>>) target_semaphore(%run_scoped3A : memref<!tpu.dma_semaphore, #tpu.memory_space<semaphore_mem>>)
      %dma_wait3A_23 = arith.constant 0 : i32
      %dma_wait3A_24 = tpu.memref_slice %arg7[%mul3A_2, %dma_wait3A_23] : memref<4096x128xf32, #tpu.memory_space<hbm>> -> memref<128x128xf32, #tpu.memory_space<hbm>>
      %dma_wait3A_25 = arith.constant 0 : i32
      %dma_wait3A_26 = tpu.memref_slice %arg7[%mul3A_2, %dma_wait3A_25] : memref<4096x128xf32, #tpu.memory_space<hbm>> -> memref<128x128xf32, #tpu.memory_space<hbm>>
      tpu.wait_dma2 semaphore(%run_scoped3A : memref<!tpu.dma_semaphore, #tpu.memory_space<semaphore_mem>>) src(%arg10 : memref<128x128xf32, #tpu.memory_space<vmem>>) dst(%dma_wait3A_26 : memref<128x128xf32, #tpu.memory_space<hbm>>)
      tpu.yield
    }) : () -> ()
    %dma_start3A_13 = arith.constant 0 : i32
    %dma_start3A_14 = arith.constant 0 : i32
    %dma_start3A_15 = tpu.memref_slice %arg5[%dma_start3A_13, %dma_start3A_14] : memref<100000x128xf32, #tpu.memory_space<hbm>> -> memref<100000x128xf32, #tpu.memory_space<hbm>>
    tpu.enqueue_indirect_dma source(%dma_start3A_15 : memref<100000x128xf32, #tpu.memory_space<hbm>>) target(%arg10 : memref<128x128xf32, #tpu.memory_space<vmem>>) offsets(%arg9 : memref<128xi32, #tpu.memory_space<vmem>>) semaphore(%arg11 : memref<!tpu.dma_semaphore, #tpu.memory_space<semaphore_mem>>)
    %dma_wait3A_16 = arith.constant 0 : i32
    %dma_wait3A_17 = arith.constant 0 : i32
    %dma_wait3A_18 = tpu.memref_slice %arg5[%dma_wait3A_16, %dma_wait3A_17] : memref<100000x128xf32, #tpu.memory_space<hbm>> -> memref<100000x128xf32, #tpu.memory_space<hbm>>
    tpu.wait_indirect_dma semaphore(%arg11 : memref<!tpu.dma_semaphore, #tpu.memory_space<semaphore_mem>>) src(%dma_wait3A_18 : memref<100000x128xf32, #tpu.memory_space<hbm>>) dst(%arg10 : memref<128x128xf32, #tpu.memory_space<vmem>>)
    "tpu.region"() ({
      %run_scoped3A = tpu.sem_alloc : memref<!tpu.dma_semaphore, #tpu.memory_space<semaphore_mem>>
      %dma_start3A_19 = arith.constant 0 : i32
      %dma_start3A_20 = tpu.memref_slice %arg8[%mul3A_2, %dma_start3A_19] : memref<4096x128xf32, #tpu.memory_space<hbm>> -> memref<128x128xf32, #tpu.memory_space<hbm>>
      %dma_start3A_21 = arith.constant 0 : i32
      %dma_start3A_22 = tpu.memref_slice %arg8[%mul3A_2, %dma_start3A_21] : memref<4096x128xf32, #tpu.memory_space<hbm>> -> memref<128x128xf32, #tpu.memory_space<hbm>>
      tpu.enqueue_dma source(%arg10 : memref<128x128xf32, #tpu.memory_space<vmem>>) target(%dma_start3A_22 : memref<128x128xf32, #tpu.memory_space<hbm>>) target_semaphore(%run_scoped3A : memref<!tpu.dma_semaphore, #tpu.memory_space<semaphore_mem>>)
      %dma_wait3A_23 = arith.constant 0 : i32
      %dma_wait3A_24 = tpu.memref_slice %arg8[%mul3A_2, %dma_wait3A_23] : memref<4096x128xf32, #tpu.memory_space<hbm>> -> memref<128x128xf32, #tpu.memory_space<hbm>>
      %dma_wait3A_25 = arith.constant 0 : i32
      %dma_wait3A_26 = tpu.memref_slice %arg8[%mul3A_2, %dma_wait3A_25] : memref<4096x128xf32, #tpu.memory_space<hbm>> -> memref<128x128xf32, #tpu.memory_space<hbm>>
      tpu.wait_dma2 semaphore(%run_scoped3A : memref<!tpu.dma_semaphore, #tpu.memory_space<semaphore_mem>>) src(%arg10 : memref<128x128xf32, #tpu.memory_space<vmem>>) dst(%dma_wait3A_26 : memref<128x128xf32, #tpu.memory_space<hbm>>)
      tpu.yield
    }) : () -> ()
    return
  }
}

module attributes {stable_mosaic.version = 14 : i64} {
  func.func @_main_body(%arg0: i32, %arg1: memref<3x4096x128xf32, #tpu.memory_space<vmem>>, %arg2: memref<4096x128xf32, #tpu.memory_space<vmem>>, %arg3: memref<4096x128xf32, #tpu.memory_space<vmem>>, %arg4: memref<4096x128xf32, #tpu.memory_space<vmem>>, %arg5: memref<1024x128xf32, #tpu.memory_space<vmem>>, %arg6: memref<1024x128xf32, #tpu.memory_space<vmem>>, %arg7: memref<1024x128xf32, #tpu.memory_space<vmem>>, %arg8: memref<1x1xf32, #tpu.memory_space<smem>>, %arg9: memref<3x4096x128xbf16, #tpu.memory_space<vmem>>, %arg10: memref<3x4096x128xf32, #tpu.memory_space<vmem>>) attributes {dimension_semantics = [#tpu.dimension_semantics<arbitrary>], iteration_bounds = array<i64: 98>, scalar_prefetch = 0 : i64, scratch_operands = 2 : i64, tpu.core_type = #tpu.core_type<tc>, window_params = [{pipeline_mode = #tpu.pipeline_mode<synchronous>, transform_indices = @transform_0, window_bounds = array<i64: 3, 4096, 128>}, {pipeline_mode = #tpu.pipeline_mode<synchronous>, transform_indices = @transform_1, window_bounds = array<i64: 4096, 128>}, {pipeline_mode = #tpu.pipeline_mode<synchronous>, transform_indices = @transform_2, window_bounds = array<i64: 4096, 128>}, {pipeline_mode = #tpu.pipeline_mode<synchronous>, transform_indices = @transform_3, window_bounds = array<i64: 4096, 128>}, {transform_indices = @transform_4, window_bounds = array<i64: 1024, 128>}, {transform_indices = @transform_5, window_bounds = array<i64: 1024, 128>}, {transform_indices = @transform_6, window_bounds = array<i64: 1024, 128>}, {transform_indices = @transform_7, window_bounds = array<i64: 1, 1>}]} {
    %eq3A = arith.constant 0 : i32
    %eq3A_0 = arith.cmpi eq, %arg0, %eq3A : i32
    %convert_element_type3A = arith.extui %eq3A_0 : i1 to i32
    %cond3A = arith.constant 0 : i32
    %cond3A_1 = arith.cmpi ne, %convert_element_type3A, %cond3A : i32
    scf.if %cond3A_1 {
      %get3A_135 = arith.constant 0 : index
      %get3A_136 = arith.constant 0 : index
      %get3A_137 = arith.constant 0 : index
      %get3A_138 = vector.load %arg1[%get3A_135, %get3A_136, %get3A_137] : memref<3x4096x128xf32, #tpu.memory_space<vmem>>, vector<1x4096x128xf32>
      %get3A_139 = vector.shape_cast %get3A_138 : vector<1x4096x128xf32> to vector<4096x128xf32>
      %mul3A_140 = arith.mulf %get3A_139, %get3A_139 : vector<4096x128xf32>
      %reduce_sum3A = arith.constant dense<0.000000e+00> : vector<4096xf32>
      %reduce_sum3A_141 = vector.multi_reduction <add>, %mul3A_140, %reduce_sum3A [1] : vector<4096x128xf32> to vector<4096xf32>
      %broadcast_in_dim3A_142 = vector.shape_cast %reduce_sum3A_141 : vector<4096xf32> to vector<4096x1xf32>
      %sqrt3A = math.sqrt %broadcast_in_dim3A_142 : vector<4096x1xf32>
      %max3A = arith.constant 9.99999996E-13 : f32
      %max3A_143 = vector.broadcast %max3A : f32 to vector<4096x1xf32>
      %max3A_144 = arith.maximumf %sqrt3A, %max3A_143 : vector<4096x1xf32>
      %div3A = vector.broadcast %max3A_144 : vector<4096x1xf32> to vector<4096x128xf32>
      %div3A_145 = arith.divf %get3A_139, %div3A : vector<4096x128xf32>
      %mul3A_146 = arith.constant 2.885390e+01 : f32
      %mul3A_147 = vector.broadcast %mul3A_146 : f32 to vector<4096x128xf32>
      %mul3A_148 = arith.mulf %div3A_145, %mul3A_147 : vector<4096x128xf32>
      %convert_element_type3A_149 = arith.truncf %mul3A_148 : vector<4096x128xf32> to vector<4096x128xbf16>
      %swap3A_150 = arith.constant 0 : index
      %swap3A_151 = arith.constant 0 : index
      %swap3A_152 = arith.constant 0 : index
      %swap3A_153 = vector.load %arg9[%swap3A_150, %swap3A_151, %swap3A_152] : memref<3x4096x128xbf16, #tpu.memory_space<vmem>>, vector<1x4096x128xbf16>
      %swap3A_154 = vector.shape_cast %swap3A_153 : vector<1x4096x128xbf16> to vector<4096x128xbf16>
      %swap3A_155 = vector.shape_cast %convert_element_type3A_149 : vector<4096x128xbf16> to vector<1x4096x128xbf16>
      tpu.vector_store %arg9[%swap3A_150, %swap3A_151, %swap3A_152], %swap3A_155 {strides = array<i32>} : memref<3x4096x128xbf16, #tpu.memory_space<vmem>>, vector<1x4096x128xbf16>,
      %get3A_156 = arith.constant 1 : index
      %get3A_157 = arith.constant 0 : index
      %get3A_158 = arith.constant 0 : index
      %get3A_159 = vector.load %arg1[%get3A_156, %get3A_157, %get3A_158] : memref<3x4096x128xf32, #tpu.memory_space<vmem>>, vector<1x4096x128xf32>
      %get3A_160 = vector.shape_cast %get3A_159 : vector<1x4096x128xf32> to vector<4096x128xf32>
      %mul3A_161 = arith.mulf %get3A_160, %get3A_160 : vector<4096x128xf32>
      %reduce_sum3A_162 = arith.constant dense<0.000000e+00> : vector<4096xf32>
      %reduce_sum3A_163 = vector.multi_reduction <add>, %mul3A_161, %reduce_sum3A_162 [1] : vector<4096x128xf32> to vector<4096xf32>
      %broadcast_in_dim3A_164 = vector.shape_cast %reduce_sum3A_163 : vector<4096xf32> to vector<4096x1xf32>
      %sqrt3A_165 = math.sqrt %broadcast_in_dim3A_164 : vector<4096x1xf32>
      %max3A_166 = arith.constant 9.99999996E-13 : f32
      %max3A_167 = vector.broadcast %max3A_166 : f32 to vector<4096x1xf32>
      %max3A_168 = arith.maximumf %sqrt3A_165, %max3A_167 : vector<4096x1xf32>
      %div3A_169 = vector.broadcast %max3A_168 : vector<4096x1xf32> to vector<4096x128xf32>
      %div3A_170 = arith.divf %get3A_160, %div3A_169 : vector<4096x128xf32>
      %mul3A_171 = arith.constant 2.885390e+01 : f32
      %mul3A_172 = vector.broadcast %mul3A_171 : f32 to vector<4096x128xf32>
      %mul3A_173 = arith.mulf %div3A_170, %mul3A_172 : vector<4096x128xf32>
      %convert_element_type3A_174 = arith.truncf %mul3A_173 : vector<4096x128xf32> to vector<4096x128xbf16>
      %swap3A_175 = arith.constant 1 : index
      %swap3A_176 = arith.constant 0 : index
      %swap3A_177 = arith.constant 0 : index
      %swap3A_178 = vector.load %arg9[%swap3A_175, %swap3A_176, %swap3A_177] : memref<3x4096x128xbf16, #tpu.memory_space<vmem>>, vector<1x4096x128xbf16>
      %swap3A_179 = vector.shape_cast %swap3A_178 : vector<1x4096x128xbf16> to vector<4096x128xbf16>
      %swap3A_180 = vector.shape_cast %convert_element_type3A_174 : vector<4096x128xbf16> to vector<1x4096x128xbf16>
      tpu.vector_store %arg9[%swap3A_175, %swap3A_176, %swap3A_177], %swap3A_180 {strides = array<i32>} : memref<3x4096x128xbf16, #tpu.memory_space<vmem>>, vector<1x4096x128xbf16>,
      %get3A_181 = arith.constant 2 : index
      %get3A_182 = arith.constant 0 : index
      %get3A_183 = arith.constant 0 : index
      %get3A_184 = vector.load %arg1[%get3A_181, %get3A_182, %get3A_183] : memref<3x4096x128xf32, #tpu.memory_space<vmem>>, vector<1x4096x128xf32>
      %get3A_185 = vector.shape_cast %get3A_184 : vector<1x4096x128xf32> to vector<4096x128xf32>
      %mul3A_186 = arith.mulf %get3A_185, %get3A_185 : vector<4096x128xf32>
      %reduce_sum3A_187 = arith.constant dense<0.000000e+00> : vector<4096xf32>
      %reduce_sum3A_188 = vector.multi_reduction <add>, %mul3A_186, %reduce_sum3A_187 [1] : vector<4096x128xf32> to vector<4096xf32>
      %broadcast_in_dim3A_189 = vector.shape_cast %reduce_sum3A_188 : vector<4096xf32> to vector<4096x1xf32>
      %sqrt3A_190 = math.sqrt %broadcast_in_dim3A_189 : vector<4096x1xf32>
      %max3A_191 = arith.constant 9.99999996E-13 : f32
      %max3A_192 = vector.broadcast %max3A_191 : f32 to vector<4096x1xf32>
      %max3A_193 = arith.maximumf %sqrt3A_190, %max3A_192 : vector<4096x1xf32>
      %div3A_194 = vector.broadcast %max3A_193 : vector<4096x1xf32> to vector<4096x128xf32>
      %div3A_195 = arith.divf %get3A_185, %div3A_194 : vector<4096x128xf32>
      %mul3A_196 = arith.constant 2.885390e+01 : f32
      %mul3A_197 = vector.broadcast %mul3A_196 : f32 to vector<4096x128xf32>
      %mul3A_198 = arith.mulf %div3A_195, %mul3A_197 : vector<4096x128xf32>
      %convert_element_type3A_199 = arith.truncf %mul3A_198 : vector<4096x128xf32> to vector<4096x128xbf16>
      %swap3A_200 = arith.constant 2 : index
      %swap3A_201 = arith.constant 0 : index
      %swap3A_202 = arith.constant 0 : index
      %swap3A_203 = vector.load %arg9[%swap3A_200, %swap3A_201, %swap3A_202] : memref<3x4096x128xbf16, #tpu.memory_space<vmem>>, vector<1x4096x128xbf16>
      %swap3A_204 = vector.shape_cast %swap3A_203 : vector<1x4096x128xbf16> to vector<4096x128xbf16>
      %swap3A_205 = vector.shape_cast %convert_element_type3A_199 : vector<4096x128xbf16> to vector<1x4096x128xbf16>
      tpu.vector_store %arg9[%swap3A_200, %swap3A_201, %swap3A_202], %swap3A_205 {strides = array<i32>} : memref<3x4096x128xbf16, #tpu.memory_space<vmem>>, vector<1x4096x128xbf16>,
      %broadcast_in_dim3A_206 = arith.constant 0.000000e+00 : f32
      %broadcast_in_dim3A_207 = vector.broadcast %broadcast_in_dim3A_206 : f32 to vector<3x4096x128xf32>
      %swap3A_208 = arith.constant 0 : index
      %swap3A_209 = arith.constant 0 : index
      %swap3A_210 = arith.constant 0 : index
      %swap3A_211 = vector.load %arg10[%swap3A_208, %swap3A_209, %swap3A_210] : memref<3x4096x128xf32, #tpu.memory_space<vmem>>, vector<3x4096x128xf32>
      tpu.vector_store %arg10[%swap3A_208, %swap3A_209, %swap3A_210], %broadcast_in_dim3A_207 {strides = array<i32>} : memref<3x4096x128xf32, #tpu.memory_space<vmem>>, vector<3x4096x128xf32>,
    } else {
    }
    %mul3A = arith.constant 1024 : i32
    %mul3A_2 = arith.muli %arg0, %mul3A : i32
    %iota3A = tpu.iota {dimensions = array<i32: 0>} : vector<1024x128xi32>
    %add3A = vector.broadcast %mul3A_2 : i32 to vector<1024x128xi32>
    %add3A_3 = arith.addi %iota3A, %add3A : vector<1024x128xi32>
    %lt3A = arith.constant 100000 : i32
    %lt3A_4 = vector.broadcast %lt3A : i32 to vector<1024x128xi32>
    %lt3A_5 = arith.cmpi slt, %add3A_3, %lt3A_4 : vector<1024x128xi32>
    %get3A = arith.constant 0 : index
    %get3A_6 = arith.constant 0 : index
    %get3A_7 = vector.load %arg5[%get3A, %get3A_6] : memref<1024x128xf32, #tpu.memory_space<vmem>>, vector<1024x128xf32>
    %jit3A = arith.constant 0.000000e+00 : f32
    %broadcast_in_dim3A = vector.broadcast %jit3A : f32 to vector<1024x128xf32>
    %select_n3A = arith.select %lt3A_5, %get3A_7, %broadcast_in_dim3A : vector<1024x128xi1>, vector<1024x128xf32>
    %convert_element_type3A_8 = arith.truncf %select_n3A : vector<1024x128xf32> to vector<1024x128xbf16>
    %get3A_9 = arith.constant 0 : index
    %get3A_10 = arith.constant 0 : index
    %get3A_11 = arith.constant 0 : index
    %get3A_12 = vector.load %arg9[%get3A_9, %get3A_10, %get3A_11] : memref<3x4096x128xbf16, #tpu.memory_space<vmem>>, vector<1x4096x128xbf16>
    %get3A_13 = vector.shape_cast %get3A_12 : vector<1x4096x128xbf16> to vector<4096x128xbf16>
    %dot_general3A = arith.constant dense<0.000000e+00> : vector<4096x1024xf32>
    %dot_general3A_14 = tpu.matmul %get3A_13, %convert_element_type3A_8, %dot_general3A {dimension_numbers = #tpu.dot_dimension_numbers<[1], [1], [0], [0], [0, 0, 1, 0], [], []>, transpose_lhs_hint = false} : vector<4096x128xbf16>, vector<1024x128xbf16>, vector<4096x1024xf32> -> vector<4096x1024xf32>
    %exp23A = math.exp2 %dot_general3A_14 : vector<4096x1024xf32>
    %slice3A = vector.extract_strided_slice %exp23A {offsets = [0, 0], sizes = [4096, 128], strides = [1, 1]} : vector<4096x1024xf32> to vector<4096x128xf32>
    %slice3A_15 = vector.extract_strided_slice %exp23A {offsets = [0, 128], sizes = [4096, 128], strides = [1, 1]} : vector<4096x1024xf32> to vector<4096x128xf32>
    %add3A_16 = arith.addf %slice3A, %slice3A_15 : vector<4096x128xf32>
    %slice3A_17 = vector.extract_strided_slice %exp23A {offsets = [0, 256], sizes = [4096, 128], strides = [1, 1]} : vector<4096x1024xf32> to vector<4096x128xf32>
    %add3A_18 = arith.addf %add3A_16, %slice3A_17 : vector<4096x128xf32>
    %slice3A_19 = vector.extract_strided_slice %exp23A {offsets = [0, 384], sizes = [4096, 128], strides = [1, 1]} : vector<4096x1024xf32> to vector<4096x128xf32>
    %add3A_20 = arith.addf %add3A_18, %slice3A_19 : vector<4096x128xf32>
    %slice3A_21 = vector.extract_strided_slice %exp23A {offsets = [0, 512], sizes = [4096, 128], strides = [1, 1]} : vector<4096x1024xf32> to vector<4096x128xf32>
    %add3A_22 = arith.addf %add3A_20, %slice3A_21 : vector<4096x128xf32>
    %slice3A_23 = vector.extract_strided_slice %exp23A {offsets = [0, 640], sizes = [4096, 128], strides = [1, 1]} : vector<4096x1024xf32> to vector<4096x128xf32>
    %add3A_24 = arith.addf %add3A_22, %slice3A_23 : vector<4096x128xf32>
    %slice3A_25 = vector.extract_strided_slice %exp23A {offsets = [0, 768], sizes = [4096, 128], strides = [1, 1]} : vector<4096x1024xf32> to vector<4096x128xf32>
    %add3A_26 = arith.addf %add3A_24, %slice3A_25 : vector<4096x128xf32>
    %slice3A_27 = vector.extract_strided_slice %exp23A {offsets = [0, 896], sizes = [4096, 128], strides = [1, 1]} : vector<4096x1024xf32> to vector<4096x128xf32>
    %add3A_28 = arith.addf %add3A_26, %slice3A_27 : vector<4096x128xf32>
    %get3A_29 = arith.constant 0 : index
    %get3A_30 = arith.constant 0 : index
    %get3A_31 = arith.constant 0 : index
    %get3A_32 = vector.load %arg10[%get3A_29, %get3A_30, %get3A_31] : memref<3x4096x128xf32, #tpu.memory_space<vmem>>, vector<1x4096x128xf32>
    %get3A_33 = vector.shape_cast %get3A_32 : vector<1x4096x128xf32> to vector<4096x128xf32>
    %add3A_34 = arith.addf %get3A_33, %add3A_28 : vector<4096x128xf32>
    %swap3A = arith.constant 0 : index
    %swap3A_35 = arith.constant 0 : index
    %swap3A_36 = arith.constant 0 : index
    %swap3A_37 = vector.load %arg10[%swap3A, %swap3A_35, %swap3A_36] : memref<3x4096x128xf32, #tpu.memory_space<vmem>>, vector<1x4096x128xf32>
    %swap3A_38 = vector.shape_cast %swap3A_37 : vector<1x4096x128xf32> to vector<4096x128xf32>
    %swap3A_39 = vector.shape_cast %add3A_34 : vector<4096x128xf32> to vector<1x4096x128xf32>
    tpu.vector_store %arg10[%swap3A, %swap3A_35, %swap3A_36], %swap3A_39 {strides = array<i32>} : memref<3x4096x128xf32, #tpu.memory_space<vmem>>, vector<1x4096x128xf32>,
    %lt3A_40 = arith.constant 100000 : i32
    %lt3A_41 = vector.broadcast %lt3A_40 : i32 to vector<1024x128xi32>
    %lt3A_42 = arith.cmpi slt, %add3A_3, %lt3A_41 : vector<1024x128xi32>
    %get3A_43 = arith.constant 0 : index
    %get3A_44 = arith.constant 0 : index
    %get3A_45 = vector.load %arg6[%get3A_43, %get3A_44] : memref<1024x128xf32, #tpu.memory_space<vmem>>, vector<1024x128xf32>
    %jit3A_46 = arith.constant 0.000000e+00 : f32
    %broadcast_in_dim3A_47 = vector.broadcast %jit3A_46 : f32 to vector<1024x128xf32>
    %select_n3A_48 = arith.select %lt3A_42, %get3A_45, %broadcast_in_dim3A_47 : vector<1024x128xi1>, vector<1024x128xf32>
    %convert_element_type3A_49 = arith.truncf %select_n3A_48 : vector<1024x128xf32> to vector<1024x128xbf16>
    %get3A_50 = arith.constant 1 : index
    %get3A_51 = arith.constant 0 : index
    %get3A_52 = arith.constant 0 : index
    %get3A_53 = vector.load %arg9[%get3A_50, %get3A_51, %get3A_52] : memref<3x4096x128xbf16, #tpu.memory_space<vmem>>, vector<1x4096x128xbf16>
    %get3A_54 = vector.shape_cast %get3A_53 : vector<1x4096x128xbf16> to vector<4096x128xbf16>
    %dot_general3A_55 = arith.constant dense<0.000000e+00> : vector<4096x1024xf32>
    %dot_general3A_56 = tpu.matmul %get3A_54, %convert_element_type3A_49, %dot_general3A_55 {dimension_numbers = #tpu.dot_dimension_numbers<[1], [1], [0], [0], [0, 0, 1, 0], [], []>, transpose_lhs_hint = false} : vector<4096x128xbf16>, vector<1024x128xbf16>, vector<4096x1024xf32> -> vector<4096x1024xf32>
    %exp23A_57 = math.exp2 %dot_general3A_56 : vector<4096x1024xf32>
    %slice3A_58 = vector.extract_strided_slice %exp23A_57 {offsets = [0, 0], sizes = [4096, 128], strides = [1, 1]} : vector<4096x1024xf32> to vector<4096x128xf32>
    %slice3A_59 = vector.extract_strided_slice %exp23A_57 {offsets = [0, 128], sizes = [4096, 128], strides = [1, 1]} : vector<4096x1024xf32> to vector<4096x128xf32>
    %add3A_60 = arith.addf %slice3A_58, %slice3A_59 : vector<4096x128xf32>
    %slice3A_61 = vector.extract_strided_slice %exp23A_57 {offsets = [0, 256], sizes = [4096, 128], strides = [1, 1]} : vector<4096x1024xf32> to vector<4096x128xf32>
    %add3A_62 = arith.addf %add3A_60, %slice3A_61 : vector<4096x128xf32>
    %slice3A_63 = vector.extract_strided_slice %exp23A_57 {offsets = [0, 384], sizes = [4096, 128], strides = [1, 1]} : vector<4096x1024xf32> to vector<4096x128xf32>
    %add3A_64 = arith.addf %add3A_62, %slice3A_63 : vector<4096x128xf32>
    %slice3A_65 = vector.extract_strided_slice %exp23A_57 {offsets = [0, 512], sizes = [4096, 128], strides = [1, 1]} : vector<4096x1024xf32> to vector<4096x128xf32>
    %add3A_66 = arith.addf %add3A_64, %slice3A_65 : vector<4096x128xf32>
    %slice3A_67 = vector.extract_strided_slice %exp23A_57 {offsets = [0, 640], sizes = [4096, 128], strides = [1, 1]} : vector<4096x1024xf32> to vector<4096x128xf32>
    %add3A_68 = arith.addf %add3A_66, %slice3A_67 : vector<4096x128xf32>
    %slice3A_69 = vector.extract_strided_slice %exp23A_57 {offsets = [0, 768], sizes = [4096, 128], strides = [1, 1]} : vector<4096x1024xf32> to vector<4096x128xf32>
    %add3A_70 = arith.addf %add3A_68, %slice3A_69 : vector<4096x128xf32>
    %slice3A_71 = vector.extract_strided_slice %exp23A_57 {offsets = [0, 896], sizes = [4096, 128], strides = [1, 1]} : vector<4096x1024xf32> to vector<4096x128xf32>
    %add3A_72 = arith.addf %add3A_70, %slice3A_71 : vector<4096x128xf32>
    %get3A_73 = arith.constant 1 : index
    %get3A_74 = arith.constant 0 : index
    %get3A_75 = arith.constant 0 : index
    %get3A_76 = vector.load %arg10[%get3A_73, %get3A_74, %get3A_75] : memref<3x4096x128xf32, #tpu.memory_space<vmem>>, vector<1x4096x128xf32>
    %get3A_77 = vector.shape_cast %get3A_76 : vector<1x4096x128xf32> to vector<4096x128xf32>
    %add3A_78 = arith.addf %get3A_77, %add3A_72 : vector<4096x128xf32>
    %swap3A_79 = arith.constant 1 : index
    %swap3A_80 = arith.constant 0 : index
    %swap3A_81 = arith.constant 0 : index
    %swap3A_82 = vector.load %arg10[%swap3A_79, %swap3A_80, %swap3A_81] : memref<3x4096x128xf32, #tpu.memory_space<vmem>>, vector<1x4096x128xf32>
    %swap3A_83 = vector.shape_cast %swap3A_82 : vector<1x4096x128xf32> to vector<4096x128xf32>
    %swap3A_84 = vector.shape_cast %add3A_78 : vector<4096x128xf32> to vector<1x4096x128xf32>
    tpu.vector_store %arg10[%swap3A_79, %swap3A_80, %swap3A_81], %swap3A_84 {strides = array<i32>} : memref<3x4096x128xf32, #tpu.memory_space<vmem>>, vector<1x4096x128xf32>,
    %lt3A_85 = arith.constant 100000 : i32
    %lt3A_86 = vector.broadcast %lt3A_85 : i32 to vector<1024x128xi32>
    %lt3A_87 = arith.cmpi slt, %add3A_3, %lt3A_86 : vector<1024x128xi32>
    %get3A_88 = arith.constant 0 : index
    %get3A_89 = arith.constant 0 : index
    %get3A_90 = vector.load %arg7[%get3A_88, %get3A_89] : memref<1024x128xf32, #tpu.memory_space<vmem>>, vector<1024x128xf32>
    %jit3A_91 = arith.constant 0.000000e+00 : f32
    %broadcast_in_dim3A_92 = vector.broadcast %jit3A_91 : f32 to vector<1024x128xf32>
    %select_n3A_93 = arith.select %lt3A_87, %get3A_90, %broadcast_in_dim3A_92 : vector<1024x128xi1>, vector<1024x128xf32>
    %convert_element_type3A_94 = arith.truncf %select_n3A_93 : vector<1024x128xf32> to vector<1024x128xbf16>
    %get3A_95 = arith.constant 2 : index
    %get3A_96 = arith.constant 0 : index
    %get3A_97 = arith.constant 0 : index
    %get3A_98 = vector.load %arg9[%get3A_95, %get3A_96, %get3A_97] : memref<3x4096x128xbf16, #tpu.memory_space<vmem>>, vector<1x4096x128xbf16>
    %get3A_99 = vector.shape_cast %get3A_98 : vector<1x4096x128xbf16> to vector<4096x128xbf16>
    %dot_general3A_100 = arith.constant dense<0.000000e+00> : vector<4096x1024xf32>
    %dot_general3A_101 = tpu.matmul %get3A_99, %convert_element_type3A_94, %dot_general3A_100 {dimension_numbers = #tpu.dot_dimension_numbers<[1], [1], [0], [0], [0, 0, 1, 0], [], []>, transpose_lhs_hint = false} : vector<4096x128xbf16>, vector<1024x128xbf16>, vector<4096x1024xf32> -> vector<4096x1024xf32>
    %exp23A_102 = math.exp2 %dot_general3A_101 : vector<4096x1024xf32>
    %slice3A_103 = vector.extract_strided_slice %exp23A_102 {offsets = [0, 0], sizes = [4096, 128], strides = [1, 1]} : vector<4096x1024xf32> to vector<4096x128xf32>
    %slice3A_104 = vector.extract_strided_slice %exp23A_102 {offsets = [0, 128], sizes = [4096, 128], strides = [1, 1]} : vector<4096x1024xf32> to vector<4096x128xf32>
    %add3A_105 = arith.addf %slice3A_103, %slice3A_104 : vector<4096x128xf32>
    %slice3A_106 = vector.extract_strided_slice %exp23A_102 {offsets = [0, 256], sizes = [4096, 128], strides = [1, 1]} : vector<4096x1024xf32> to vector<4096x128xf32>
    %add3A_107 = arith.addf %add3A_105, %slice3A_106 : vector<4096x128xf32>
    %slice3A_108 = vector.extract_strided_slice %exp23A_102 {offsets = [0, 384], sizes = [4096, 128], strides = [1, 1]} : vector<4096x1024xf32> to vector<4096x128xf32>
    %add3A_109 = arith.addf %add3A_107, %slice3A_108 : vector<4096x128xf32>
    %slice3A_110 = vector.extract_strided_slice %exp23A_102 {offsets = [0, 512], sizes = [4096, 128], strides = [1, 1]} : vector<4096x1024xf32> to vector<4096x128xf32>
    %add3A_111 = arith.addf %add3A_109, %slice3A_110 : vector<4096x128xf32>
    %slice3A_112 = vector.extract_strided_slice %exp23A_102 {offsets = [0, 640], sizes = [4096, 128], strides = [1, 1]} : vector<4096x1024xf32> to vector<4096x128xf32>
    %add3A_113 = arith.addf %add3A_111, %slice3A_112 : vector<4096x128xf32>
    %slice3A_114 = vector.extract_strided_slice %exp23A_102 {offsets = [0, 768], sizes = [4096, 128], strides = [1, 1]} : vector<4096x1024xf32> to vector<4096x128xf32>
    %add3A_115 = arith.addf %add3A_113, %slice3A_114 : vector<4096x128xf32>
    %slice3A_116 = vector.extract_strided_slice %exp23A_102 {offsets = [0, 896], sizes = [4096, 128], strides = [1, 1]} : vector<4096x1024xf32> to vector<4096x128xf32>
    %add3A_117 = arith.addf %add3A_115, %slice3A_116 : vector<4096x128xf32>
    %get3A_118 = arith.constant 2 : index
    %get3A_119 = arith.constant 0 : index
    %get3A_120 = arith.constant 0 : index
    %get3A_121 = vector.load %arg10[%get3A_118, %get3A_119, %get3A_120] : memref<3x4096x128xf32, #tpu.memory_space<vmem>>, vector<1x4096x128xf32>
    %get3A_122 = vector.shape_cast %get3A_121 : vector<1x4096x128xf32> to vector<4096x128xf32>
    %add3A_123 = arith.addf %get3A_122, %add3A_117 : vector<4096x128xf32>
    %swap3A_124 = arith.constant 2 : index
    %swap3A_125 = arith.constant 0 : index
    %swap3A_126 = arith.constant 0 : index
    %swap3A_127 = vector.load %arg10[%swap3A_124, %swap3A_125, %swap3A_126] : memref<3x4096x128xf32, #tpu.memory_space<vmem>>, vector<1x4096x128xf32>
    %swap3A_128 = vector.shape_cast %swap3A_127 : vector<1x4096x128xf32> to vector<4096x128xf32>
    %swap3A_129 = vector.shape_cast %add3A_123 : vector<4096x128xf32> to vector<1x4096x128xf32>
    tpu.vector_store %arg10[%swap3A_124, %swap3A_125, %swap3A_126], %swap3A_129 {strides = array<i32>} : memref<3x4096x128xf32, #tpu.memory_space<vmem>>, vector<1x4096x128xf32>,
    %eq3A_130 = arith.constant 97 : i32
    %eq3A_131 = arith.cmpi eq, %arg0, %eq3A_130 : i32
    %convert_element_type3A_132 = arith.extui %eq3A_131 : i1 to i32
    %cond3A_133 = arith.constant 0 : i32
    %cond3A_134 = arith.cmpi ne, %convert_element_type3A_132, %cond3A_133 : i32
    scf.if %cond3A_134 {
      %get3A_135 = arith.constant 0 : index
      %get3A_136 = arith.constant 0 : index
      %get3A_137 = arith.constant 0 : index
      %get3A_138 = vector.load %arg1[%get3A_135, %get3A_136, %get3A_137] : memref<3x4096x128xf32, #tpu.memory_space<vmem>>, vector<1x4096x128xf32>
      %get3A_139 = vector.shape_cast %get3A_138 : vector<1x4096x128xf32> to vector<4096x128xf32>
      %mul3A_140 = arith.mulf %get3A_139, %get3A_139 : vector<4096x128xf32>
      %reduce_sum3A = arith.constant dense<0.000000e+00> : vector<4096xf32>
      %reduce_sum3A_141 = vector.multi_reduction <add>, %mul3A_140, %reduce_sum3A [1] : vector<4096x128xf32> to vector<4096xf32>
      %broadcast_in_dim3A_142 = vector.shape_cast %reduce_sum3A_141 : vector<4096xf32> to vector<4096x1xf32>
      %sqrt3A = math.sqrt %broadcast_in_dim3A_142 : vector<4096x1xf32>
      %max3A = arith.constant 9.99999996E-13 : f32
      %max3A_143 = vector.broadcast %max3A : f32 to vector<4096x1xf32>
      %max3A_144 = arith.maximumf %sqrt3A, %max3A_143 : vector<4096x1xf32>
      %div3A = vector.broadcast %max3A_144 : vector<4096x1xf32> to vector<4096x128xf32>
      %div3A_145 = arith.divf %get3A_139, %div3A : vector<4096x128xf32>
      %get3A_146 = arith.constant 1 : index
      %get3A_147 = arith.constant 0 : index
      %get3A_148 = arith.constant 0 : index
      %get3A_149 = vector.load %arg1[%get3A_146, %get3A_147, %get3A_148] : memref<3x4096x128xf32, #tpu.memory_space<vmem>>, vector<1x4096x128xf32>
      %get3A_150 = vector.shape_cast %get3A_149 : vector<1x4096x128xf32> to vector<4096x128xf32>
      %mul3A_151 = arith.mulf %get3A_150, %get3A_150 : vector<4096x128xf32>
      %reduce_sum3A_152 = arith.constant dense<0.000000e+00> : vector<4096xf32>
      %reduce_sum3A_153 = vector.multi_reduction <add>, %mul3A_151, %reduce_sum3A_152 [1] : vector<4096x128xf32> to vector<4096xf32>
      %broadcast_in_dim3A_154 = vector.shape_cast %reduce_sum3A_153 : vector<4096xf32> to vector<4096x1xf32>
      %sqrt3A_155 = math.sqrt %broadcast_in_dim3A_154 : vector<4096x1xf32>
      %max3A_156 = arith.constant 9.99999996E-13 : f32
      %max3A_157 = vector.broadcast %max3A_156 : f32 to vector<4096x1xf32>
      %max3A_158 = arith.maximumf %sqrt3A_155, %max3A_157 : vector<4096x1xf32>
      %div3A_159 = vector.broadcast %max3A_158 : vector<4096x1xf32> to vector<4096x128xf32>
      %div3A_160 = arith.divf %get3A_150, %div3A_159 : vector<4096x128xf32>
      %get3A_161 = arith.constant 2 : index
      %get3A_162 = arith.constant 0 : index
      %get3A_163 = arith.constant 0 : index
      %get3A_164 = vector.load %arg1[%get3A_161, %get3A_162, %get3A_163] : memref<3x4096x128xf32, #tpu.memory_space<vmem>>, vector<1x4096x128xf32>
      %get3A_165 = vector.shape_cast %get3A_164 : vector<1x4096x128xf32> to vector<4096x128xf32>
      %mul3A_166 = arith.mulf %get3A_165, %get3A_165 : vector<4096x128xf32>
      %reduce_sum3A_167 = arith.constant dense<0.000000e+00> : vector<4096xf32>
      %reduce_sum3A_168 = vector.multi_reduction <add>, %mul3A_166, %reduce_sum3A_167 [1] : vector<4096x128xf32> to vector<4096xf32>
      %broadcast_in_dim3A_169 = vector.shape_cast %reduce_sum3A_168 : vector<4096xf32> to vector<4096x1xf32>
      %sqrt3A_170 = math.sqrt %broadcast_in_dim3A_169 : vector<4096x1xf32>
      %max3A_171 = arith.constant 9.99999996E-13 : f32
      %max3A_172 = vector.broadcast %max3A_171 : f32 to vector<4096x1xf32>
      %max3A_173 = arith.maximumf %sqrt3A_170, %max3A_172 : vector<4096x1xf32>
      %div3A_174 = vector.broadcast %max3A_173 : vector<4096x1xf32> to vector<4096x128xf32>
      %div3A_175 = arith.divf %get3A_165, %div3A_174 : vector<4096x128xf32>
      %get3A_176 = arith.constant 0 : index
      %get3A_177 = arith.constant 0 : index
      %get3A_178 = arith.constant 0 : index
      %get3A_179 = vector.load %arg10[%get3A_176, %get3A_177, %get3A_178] : memref<3x4096x128xf32, #tpu.memory_space<vmem>>, vector<1x4096x128xf32>
      %get3A_180 = vector.shape_cast %get3A_179 : vector<1x4096x128xf32> to vector<4096x128xf32>
      %reduce_sum3A_181 = arith.constant dense<0.000000e+00> : vector<4096xf32>
      %reduce_sum3A_182 = vector.multi_reduction <add>, %get3A_180, %reduce_sum3A_181 [1] : vector<4096x128xf32> to vector<4096xf32>
      %broadcast_in_dim3A_183 = vector.shape_cast %reduce_sum3A_182 : vector<4096xf32> to vector<4096x1xf32>
      %sub3A = arith.constant 3.520000e+02 : f32
      %sub3A_184 = vector.broadcast %sub3A : f32 to vector<4096x1xf32>
      %sub3A_185 = arith.subf %broadcast_in_dim3A_183, %sub3A_184 : vector<4096x1xf32>
      %get3A_186 = arith.constant 0 : index
      %get3A_187 = arith.constant 0 : index
      %get3A_188 = vector.load %arg2[%get3A_186, %get3A_187] : memref<4096x128xf32, #tpu.memory_space<vmem>>, vector<4096x128xf32>
      %mul3A_189 = arith.mulf %div3A_145, %get3A_188 : vector<4096x128xf32>
      %reduce_sum3A_190 = arith.constant dense<0.000000e+00> : vector<4096xf32>
      %reduce_sum3A_191 = vector.multi_reduction <add>, %mul3A_189, %reduce_sum3A_190 [1] : vector<4096x128xf32> to vector<4096xf32>
      %broadcast_in_dim3A_192 = vector.shape_cast %reduce_sum3A_191 : vector<4096xf32> to vector<4096x1xf32>
      %mul3A_193 = arith.constant 2.000000e+01 : f32
      %mul3A_194 = vector.broadcast %mul3A_193 : f32 to vector<4096x1xf32>
      %mul3A_195 = arith.mulf %broadcast_in_dim3A_192, %mul3A_194 : vector<4096x1xf32>
      %log3A = math.log %sub3A_185 : vector<4096x1xf32>
      %sub3A_196 = arith.subf %log3A, %mul3A_195 : vector<4096x1xf32>
      %reduce_sum3A_197 = vector.shape_cast %sub3A_196 : vector<4096x1xf32> to vector<1x4096x1xf32>
      %reduce_sum3A_198 = arith.constant dense<0.000000e+00> : vector<1xf32>
      %reduce_sum3A_199 = vector.multi_reduction <add>, %reduce_sum3A_197, %reduce_sum3A_198 [1, 2] : vector<1x4096x1xf32> to vector<1xf32>
      %reduce_sum3A_200 = vector.shape_cast %reduce_sum3A_199 : vector<1xf32> to vector<1x1x1xf32>
      %reduce_sum3A_201 = vector.extract %reduce_sum3A_200[0, 0, 0] : f32 from vector<1x1x1xf32>
      %div3A_202 = arith.constant 4.096000e+03 : f32
      %div3A_203 = arith.divf %reduce_sum3A_201, %div3A_202 : f32
      %add3A_204 = arith.constant 0.000000e+00 : f32
      %add3A_205 = arith.addf %add3A_204, %div3A_203 : f32
      %get3A_206 = arith.constant 1 : index
      %get3A_207 = arith.constant 0 : index
      %get3A_208 = arith.constant 0 : index
      %get3A_209 = vector.load %arg10[%get3A_206, %get3A_207, %get3A_208] : memref<3x4096x128xf32, #tpu.memory_space<vmem>>, vector<1x4096x128xf32>
      %get3A_210 = vector.shape_cast %get3A_209 : vector<1x4096x128xf32> to vector<4096x128xf32>
      %reduce_sum3A_211 = arith.constant dense<0.000000e+00> : vector<4096xf32>
      %reduce_sum3A_212 = vector.multi_reduction <add>, %get3A_210, %reduce_sum3A_211 [1] : vector<4096x128xf32> to vector<4096xf32>
      %broadcast_in_dim3A_213 = vector.shape_cast %reduce_sum3A_212 : vector<4096xf32> to vector<4096x1xf32>
      %sub3A_214 = arith.constant 3.520000e+02 : f32
      %sub3A_215 = vector.broadcast %sub3A_214 : f32 to vector<4096x1xf32>
      %sub3A_216 = arith.subf %broadcast_in_dim3A_213, %sub3A_215 : vector<4096x1xf32>
      %get3A_217 = arith.constant 0 : index
      %get3A_218 = arith.constant 0 : index
      %get3A_219 = vector.load %arg3[%get3A_217, %get3A_218] : memref<4096x128xf32, #tpu.memory_space<vmem>>, vector<4096x128xf32>
      %mul3A_220 = arith.mulf %div3A_160, %get3A_219 : vector<4096x128xf32>
      %reduce_sum3A_221 = arith.constant dense<0.000000e+00> : vector<4096xf32>
      %reduce_sum3A_222 = vector.multi_reduction <add>, %mul3A_220, %reduce_sum3A_221 [1] : vector<4096x128xf32> to vector<4096xf32>
      %broadcast_in_dim3A_223 = vector.shape_cast %reduce_sum3A_222 : vector<4096xf32> to vector<4096x1xf32>
      %mul3A_224 = arith.constant 2.000000e+01 : f32
      %mul3A_225 = vector.broadcast %mul3A_224 : f32 to vector<4096x1xf32>
      %mul3A_226 = arith.mulf %broadcast_in_dim3A_223, %mul3A_225 : vector<4096x1xf32>
      %log3A_227 = math.log %sub3A_216 : vector<4096x1xf32>
      %sub3A_228 = arith.subf %log3A_227, %mul3A_226 : vector<4096x1xf32>
      %reduce_sum3A_229 = vector.shape_cast %sub3A_228 : vector<4096x1xf32> to vector<1x4096x1xf32>
      %reduce_sum3A_230 = arith.constant dense<0.000000e+00> : vector<1xf32>
      %reduce_sum3A_231 = vector.multi_reduction <add>, %reduce_sum3A_229, %reduce_sum3A_230 [1, 2] : vector<1x4096x1xf32> to vector<1xf32>
      %reduce_sum3A_232 = vector.shape_cast %reduce_sum3A_231 : vector<1xf32> to vector<1x1x1xf32>
      %reduce_sum3A_233 = vector.extract %reduce_sum3A_232[0, 0, 0] : f32 from vector<1x1x1xf32>
      %div3A_234 = arith.constant 4.096000e+03 : f32
      %div3A_235 = arith.divf %reduce_sum3A_233, %div3A_234 : f32
      %add3A_236 = arith.addf %add3A_205, %div3A_235 : f32
      %get3A_237 = arith.constant 2 : index
      %get3A_238 = arith.constant 0 : index
      %get3A_239 = arith.constant 0 : index
      %get3A_240 = vector.load %arg10[%get3A_237, %get3A_238, %get3A_239] : memref<3x4096x128xf32, #tpu.memory_space<vmem>>, vector<1x4096x128xf32>
      %get3A_241 = vector.shape_cast %get3A_240 : vector<1x4096x128xf32> to vector<4096x128xf32>
      %reduce_sum3A_242 = arith.constant dense<0.000000e+00> : vector<4096xf32>
      %reduce_sum3A_243 = vector.multi_reduction <add>, %get3A_241, %reduce_sum3A_242 [1] : vector<4096x128xf32> to vector<4096xf32>
      %broadcast_in_dim3A_244 = vector.shape_cast %reduce_sum3A_243 : vector<4096xf32> to vector<4096x1xf32>
      %sub3A_245 = arith.constant 3.520000e+02 : f32
      %sub3A_246 = vector.broadcast %sub3A_245 : f32 to vector<4096x1xf32>
      %sub3A_247 = arith.subf %broadcast_in_dim3A_244, %sub3A_246 : vector<4096x1xf32>
      %get3A_248 = arith.constant 0 : index
      %get3A_249 = arith.constant 0 : index
      %get3A_250 = vector.load %arg4[%get3A_248, %get3A_249] : memref<4096x128xf32, #tpu.memory_space<vmem>>, vector<4096x128xf32>
      %mul3A_251 = arith.mulf %div3A_175, %get3A_250 : vector<4096x128xf32>
      %reduce_sum3A_252 = arith.constant dense<0.000000e+00> : vector<4096xf32>
      %reduce_sum3A_253 = vector.multi_reduction <add>, %mul3A_251, %reduce_sum3A_252 [1] : vector<4096x128xf32> to vector<4096xf32>
      %broadcast_in_dim3A_254 = vector.shape_cast %reduce_sum3A_253 : vector<4096xf32> to vector<4096x1xf32>
      %mul3A_255 = arith.constant 2.000000e+01 : f32
      %mul3A_256 = vector.broadcast %mul3A_255 : f32 to vector<4096x1xf32>
      %mul3A_257 = arith.mulf %broadcast_in_dim3A_254, %mul3A_256 : vector<4096x1xf32>
      %log3A_258 = math.log %sub3A_247 : vector<4096x1xf32>
      %sub3A_259 = arith.subf %log3A_258, %mul3A_257 : vector<4096x1xf32>
      %reduce_sum3A_260 = vector.shape_cast %sub3A_259 : vector<4096x1xf32> to vector<1x4096x1xf32>
      %reduce_sum3A_261 = arith.constant dense<0.000000e+00> : vector<1xf32>
      %reduce_sum3A_262 = vector.multi_reduction <add>, %reduce_sum3A_260, %reduce_sum3A_261 [1, 2] : vector<1x4096x1xf32> to vector<1xf32>
      %reduce_sum3A_263 = vector.shape_cast %reduce_sum3A_262 : vector<1xf32> to vector<1x1x1xf32>
      %reduce_sum3A_264 = vector.extract %reduce_sum3A_263[0, 0, 0] : f32 from vector<1x1x1xf32>
      %div3A_265 = arith.constant 4.096000e+03 : f32
      %div3A_266 = arith.divf %reduce_sum3A_264, %div3A_265 : f32
      %add3A_267 = arith.addf %add3A_236, %div3A_266 : f32
      %reduce_max3A = arith.constant dense<0xFF800000> : vector<4096xf32>
      %reduce_max3A_268 = vector.multi_reduction <maximumf>, %div3A_160, %reduce_max3A [1] : vector<4096x128xf32> to vector<4096xf32>
      %broadcast_in_dim3A_269 = vector.shape_cast %reduce_max3A_268 : vector<4096xf32> to vector<4096x1xf32>
      %reduce_max3A_270 = arith.constant dense<0xFF800000> : vector<4096xf32>
      %reduce_max3A_271 = vector.multi_reduction <maximumf>, %div3A_175, %reduce_max3A_270 [1] : vector<4096x128xf32> to vector<4096xf32>
      %broadcast_in_dim3A_272 = vector.shape_cast %reduce_max3A_271 : vector<4096xf32> to vector<4096x1xf32>
      %sub3A_273 = vector.broadcast %broadcast_in_dim3A_269 : vector<4096x1xf32> to vector<4096x128xf32>
      %sub3A_274 = arith.subf %div3A_160, %sub3A_273 : vector<4096x128xf32>
      %exp3A = math.exp %sub3A_274 : vector<4096x128xf32>
      %sub3A_275 = vector.broadcast %broadcast_in_dim3A_272 : vector<4096x1xf32> to vector<4096x128xf32>
      %sub3A_276 = arith.subf %div3A_175, %sub3A_275 : vector<4096x128xf32>
      %exp3A_277 = math.exp %sub3A_276 : vector<4096x128xf32>
      %reduce_sum3A_278 = arith.constant dense<0.000000e+00> : vector<4096xf32>
      %reduce_sum3A_279 = vector.multi_reduction <add>, %exp3A, %reduce_sum3A_278 [1] : vector<4096x128xf32> to vector<4096xf32>
      %broadcast_in_dim3A_280 = vector.shape_cast %reduce_sum3A_279 : vector<4096xf32> to vector<4096x1xf32>
      %reduce_sum3A_281 = arith.constant dense<0.000000e+00> : vector<4096xf32>
      %reduce_sum3A_282 = vector.multi_reduction <add>, %exp3A_277, %reduce_sum3A_281 [1] : vector<4096x128xf32> to vector<4096xf32>
      %broadcast_in_dim3A_283 = vector.shape_cast %reduce_sum3A_282 : vector<4096xf32> to vector<4096x1xf32>
      %div3A_284 = vector.broadcast %broadcast_in_dim3A_280 : vector<4096x1xf32> to vector<4096x128xf32>
      %div3A_285 = arith.divf %exp3A, %div3A_284 : vector<4096x128xf32>
      %div3A_286 = vector.broadcast %broadcast_in_dim3A_283 : vector<4096x1xf32> to vector<4096x128xf32>
      %div3A_287 = arith.divf %exp3A_277, %div3A_286 : vector<4096x128xf32>
      %sub3A_288 = vector.broadcast %broadcast_in_dim3A_269 : vector<4096x1xf32> to vector<4096x128xf32>
      %sub3A_289 = arith.subf %div3A_160, %sub3A_288 : vector<4096x128xf32>
      %log3A_290 = math.log %broadcast_in_dim3A_280 : vector<4096x1xf32>
      %sub3A_291 = vector.broadcast %log3A_290 : vector<4096x1xf32> to vector<4096x128xf32>
      %sub3A_292 = arith.subf %sub3A_289, %sub3A_291 : vector<4096x128xf32>
      %sub3A_293 = vector.broadcast %broadcast_in_dim3A_272 : vector<4096x1xf32> to vector<4096x128xf32>
      %sub3A_294 = arith.subf %div3A_175, %sub3A_293 : vector<4096x128xf32>
      %log3A_295 = math.log %broadcast_in_dim3A_283 : vector<4096x1xf32>
      %sub3A_296 = vector.broadcast %log3A_295 : vector<4096x1xf32> to vector<4096x128xf32>
      %sub3A_297 = arith.subf %sub3A_294, %sub3A_296 : vector<4096x128xf32>
      %add3A_298 = arith.addf %div3A_285, %div3A_287 : vector<4096x128xf32>
      %mul3A_299 = arith.constant 5.000000e-01 : f32
      %mul3A_300 = vector.broadcast %mul3A_299 : f32 to vector<4096x128xf32>
      %mul3A_301 = arith.mulf %add3A_298, %mul3A_300 : vector<4096x128xf32>
      %log3A_302 = math.log %mul3A_301 : vector<4096x128xf32>
      %sub3A_303 = arith.subf %sub3A_292, %log3A_302 : vector<4096x128xf32>
      %mul3A_304 = arith.mulf %div3A_285, %sub3A_303 : vector<4096x128xf32>
      %reduce_sum3A_305 = vector.shape_cast %mul3A_304 : vector<4096x128xf32> to vector<1x4096x128xf32>
      %reduce_sum3A_306 = arith.constant dense<0.000000e+00> : vector<1xf32>
      %reduce_sum3A_307 = vector.multi_reduction <add>, %reduce_sum3A_305, %reduce_sum3A_306 [1, 2] : vector<1x4096x128xf32> to vector<1xf32>
      %reduce_sum3A_308 = vector.shape_cast %reduce_sum3A_307 : vector<1xf32> to vector<1x1x1xf32>
      %reduce_sum3A_309 = vector.extract %reduce_sum3A_308[0, 0, 0] : f32 from vector<1x1x1xf32>
      %sub3A_310 = arith.subf %sub3A_297, %log3A_302 : vector<4096x128xf32>
      %mul3A_311 = arith.mulf %div3A_287, %sub3A_310 : vector<4096x128xf32>
      %reduce_sum3A_312 = vector.shape_cast %mul3A_311 : vector<4096x128xf32> to vector<1x4096x128xf32>
      %reduce_sum3A_313 = arith.constant dense<0.000000e+00> : vector<1xf32>
      %reduce_sum3A_314 = vector.multi_reduction <add>, %reduce_sum3A_312, %reduce_sum3A_313 [1, 2] : vector<1x4096x128xf32> to vector<1xf32>
      %reduce_sum3A_315 = vector.shape_cast %reduce_sum3A_314 : vector<1xf32> to vector<1x1x1xf32>
      %reduce_sum3A_316 = vector.extract %reduce_sum3A_315[0, 0, 0] : f32 from vector<1x1x1xf32>
      %add3A_317 = arith.addf %reduce_sum3A_309, %reduce_sum3A_316 : f32
      %mul3A_318 = arith.constant 5.000000e-01 : f32
      %mul3A_319 = arith.mulf %mul3A_318, %add3A_317 : f32
      %add3A_320 = arith.addf %add3A_267, %mul3A_319 : f32
      %swap3A_321 = arith.constant 0 : index
      %swap3A_322 = arith.constant 0 : index
      %swap3A_323 = memref.load %arg8[%swap3A_321, %swap3A_322] : memref<1x1xf32, #tpu.memory_space<smem>>
      memref.store %add3A_320, %arg8[%swap3A_321, %swap3A_322] : memref<1x1xf32, #tpu.memory_space<smem>>
    } else {
    }
    return
  }
  func.func @transform_0(%arg0: i32) -> (i32, i32, i32) {
    %c0_i32 = arith.constant 0 : i32
    %c0_i32_0 = arith.constant 0 : i32
    %c0_i32_1 = arith.constant 0 : i32
    %c0_i32_2 = arith.constant 0 : i32
    return %c0_i32, %c0_i32_0, %c0_i32_1 : i32, i32, i32
  }
  func.func @transform_1(%arg0: i32) -> (i32, i32) {
    %c0_i32 = arith.constant 0 : i32
    %c0_i32_0 = arith.constant 0 : i32
    %c0_i32_1 = arith.constant 0 : i32
    return %c0_i32, %c0_i32_0 : i32, i32
  }
  func.func @transform_2(%arg0: i32) -> (i32, i32) {
    %c0_i32 = arith.constant 0 : i32
    %c0_i32_0 = arith.constant 0 : i32
    %c0_i32_1 = arith.constant 0 : i32
    return %c0_i32, %c0_i32_0 : i32, i32
  }
  func.func @transform_3(%arg0: i32) -> (i32, i32) {
    %c0_i32 = arith.constant 0 : i32
    %c0_i32_0 = arith.constant 0 : i32
    %c0_i32_1 = arith.constant 0 : i32
    return %c0_i32, %c0_i32_0 : i32, i32
  }
  func.func @transform_4(%arg0: i32) -> (i32, i32) {
    %c0_i32 = arith.constant 0 : i32
    %c0_i32_0 = arith.constant 0 : i32
    return %arg0, %c0_i32 : i32, i32
  }
  func.func @transform_5(%arg0: i32) -> (i32, i32) {
    %c0_i32 = arith.constant 0 : i32
    %c0_i32_0 = arith.constant 0 : i32
    return %arg0, %c0_i32 : i32, i32
  }
  func.func @transform_6(%arg0: i32) -> (i32, i32) {
    %c0_i32 = arith.constant 0 : i32
    %c0_i32_0 = arith.constant 0 : i32
    return %arg0, %c0_i32 : i32, i32
  }
  func.func @transform_7(%arg0: i32) -> (i32, i32) {
    %c0_i32 = arith.constant 0 : i32
    %c0_i32_0 = arith.constant 0 : i32
    %c0_i32_1 = arith.constant 0 : i32
    return %c0_i32, %c0_i32_0 : i32, i32
  }
}

</mosaic_0001>

<sc_bundles>
// kernel: kernel.4.cloned.1.call-start
scs
__scs_entry_jumppad:
0x0: {  	(pc) =	sbr.rel $0x88, $3  }
0x1: {  	(tag) =	ssettag $0x0;
	lr =	simm.s32 $0x1  }
0x2: {  	[smem:$0x3F9C] =	sst lr;
	_ =	strace $0xD0000000  }
0x3: {  	_ = 	snop  }
0x4: {  	_ = 	snop  }
0x5: {  	_ = 	snop  }
0x6: {  	_ = 	snop  }
0x7: {  	_ = 	snop  }
__scs_overlays_trampoline_lowered:
0x8: {  	[smem:$0x3FAB] =	sst s0  }
0x9: {  	[smem:$0x3FAC] =	sst s1  }
0xa: {  	[smem:$0x3FAD] =	sst s2  }
0xb: {  	[smem:$0x3FAE] =	sst s3  }
0xc: {  	[smem:$0x3FAF] =	sst s4  }
0xd: {  	[smem:$0x3FB0] =	sst s5  }
0xe: {  	[smem:$0x3FB1] =	sst s6  }
0xf: {  	[smem:$0x3FB2] =	sst s7  }
0x10: {  	[smem:$0x3FB3] =	sst s8  }
0x11: {  	[smem:$0x3FB4] =	sst s9;
	s0 =	simm.s32 @!p0 $0x0  }
0x12: {  	s1 =	sld [smem:$0x3F9A];
	s0 =	simm.s32 @p0 $0x1  }
0x13: {  	[smem:$0x3FB5] =	sst s0;
	s0 =	simm.s32 @!p1 $0x0  }
0x14: {  	s2 =	sld [smem:$0x3F99];
	s0 =	simm.s32 @p1 $0x1  }
0x15: {  	[smem:$0x3FB6] =	sst s0;
	s0 =	simm.s32 @!p2 $0x0  }
0x16: {  	s3 =	sld [smem:$0x3FDB];
	s0 =	simm.s32 @p2 $0x1  }
0x17: {  	s4 =	simm.s32 $0x1BF5;
	[smem:$0x3FB8] =	sst s0  }
0x18: {  	s0 =	sld [smem:$0x3F9B];
	_ =	swait.ge [sflag:s4], $0x0  }
0x19: {  	s7 =	sld [smem:$0x3F9C]  }
0x1a: {  	s8 =	sadd.s32 $0xFFFFE003, lr  }
0x1b: {  	s9 =	sadd.s32 $0xFFFFFEF7, lr;
	s5 =	simm.s32 $0xFFFFFFFF;
	p2 =	slt.u32 s8, $0xFFFFF086  }
0x1c: {  	p1 =	slt.u32 s9, $0xF7A;
	s5 =	simm.s32 @!p2 $0x0  }
0x1d: {  	s5 =	simm.s32 @p1 $0x1;
	p0 =	seq.s32 s7, s2  }
0x1e: {  	s7 =	smul.u32 @!p0 $0xF7A, s2;
	p2 =	seq.s32 @!p0 s5, $0x0  }
0x1f: {  	s9 =	smul.u32 $0xF7A, s1;
	s8 =	simm.s32 @!p0 $0x1BF5;
	p2 =	por !p2, p0  }
0x20: {  	[sflag:s8] =	ssyncset.s32 @!p0 $0xFFFFF086;
	s6 =	sadd.s32 @!p0 s3, s7;
	s7 =	simm.s32 @!p0 $0x108  }
0x21: {  	s3 =	sadd.s32 s3, s9;
	s6 =	sadd.s32 @!p0 $0x88, s6;
	s7 =	simm.s32 @p2 $0x1082  }
0x22: {  	[simem:s7], [sflag:s8] =	dma.local @!p0 [hbm:s6], $0xF7A  }
0x23: {  	s9 =	sor.u32 $0xD0000000, s2;
	s6 =	simm.s32 $0x108;
	_ =	swait.ge @!p0 [sflag:s8], $0x0  }
0x24: {  	s3 =	sadd.s32 $0x88, s3;
	s6 =	simm.s32 @!p1 $0x1082;
	[sflag:s4] =	ssyncset.s32 $0xFFFFF086  }
0x25: {  	[simem:s6], [sflag:s4] =	dma.local [hbm:s3], $0xF7A  }
0x26: {  	[smem:$0x3F9C] =	sst s1;
	(tag) =	ssettag s2;
	_ =	strace s9  }
0x27: {  	s1 =	sld [smem:$0x3FAC]  }
0x28: {  	s2 =	sld [smem:$0x3FAD]  }
0x29: {  	s4 =	sld [smem:$0x3FAF]  }
0x2a: {  	p0 =	seq.s32 s5, $0x0;
	s5 =	sld [smem:$0x3FB0]  }
0x2b: {  	s6 =	sld [smem:$0x3FB1]  }
0x2c: {  	s7 =	sld [smem:$0x3FB2]  }
0x2d: {  	s3 =	simm.s32 $0x108;
	s8 =	sld [smem:$0x3FB3]  }
0x2e: {  	s3 =	simm.s32 @!p0 $0x1082;
	s9 =	sld [smem:$0x3FB4]  }
0x2f: {  	lr =	sadd.s32 s0, s3;
	s0 =	sld [smem:$0x3FAB]  }
0x30: {  	s3 =	sld [smem:$0x3FAE]  }
0x31: {  	[smem:$0x3FB7] =	sst s10  }
0x32: {  	s10 =	sld [smem:$0x3FB5];
	_ =	sdelay $0x3  }
0x33: {  	p0 =	seq.s32 s10, $0x1;
	s10 =	sld [smem:$0x3FB7];
	_ =	sdelay $0x3  }
0x34: {  	[smem:$0x3FB7] =	sst s10  }
0x35: {  	s10 =	sld [smem:$0x3FB6];
	_ =	sdelay $0x3  }
0x36: {  	p1 =	seq.s32 s10, $0x1;
	s10 =	sld [smem:$0x3FB7];
	_ =	sdelay $0x3  }
0x37: {  	[smem:$0x3FB7] =	sst s10  }
0x38: {  	s10 =	sld [smem:$0x3FB8]  }
0x39: {  	_ = 	snop;
	(pc) =	sbr.ind lr, $3  }
0x3a: {  	_ = 	snop  }
0x3b: {  	_ = 	snop  }
0x3c: {  	p2 =	seq.s32 s10, $0x1;
	s10 =	sld [smem:$0x3FB7]  }
0x3d: {  	_ =	shalt  }
0x3e: {  	_ =	shalt  }
0x3f: {  	_ =	shalt  }
0x40: {  	_ =	shalt  }
0x41: {  	_ =	shalt  }
0x42: {  	_ =	shalt  }
0x43: {  	_ =	shalt  }
0x44: {  	_ =	shalt  }
0x45: {  	_ =	shalt  }
0x46: {  	_ =	shalt  }
0x47: {  	_ =	shalt  }
0x48: {  	_ =	shalt  }
0x49: {  	_ =	shalt  }
0x4a: {  	_ =	shalt  }
0x4b: {  	_ =	shalt  }
0x4c: {  	_ =	shalt  }
0x4d: {  	_ =	shalt  }
0x4e: {  	_ =	shalt  }
0x4f: {  	_ =	shalt  }
0x50: {  	_ =	shalt  }
0x51: {  	_ =	shalt  }
0x52: {  	_ =	shalt  }
0x53: {  	_ =	shalt  }
0x54: {  	_ =	shalt  }
0x55: {  	_ =	shalt  }
0x56: {  	_ =	shalt  }
0x57: {  	_ =	shalt  }
0x58: {  	_ =	shalt  }
0x59: {  	_ =	shalt  }
0x5a: {  	_ =	shalt  }
0x5b: {  	_ =	shalt  }
0x5c: {  	_ =	shalt  }
0x5d: {  	_ =	shalt  }
0x5e: {  	_ =	shalt  }
0x5f: {  	_ =	shalt  }
0x60: {  	_ =	shalt  }
0x61: {  	_ =	shalt  }
0x62: {  	_ =	shalt  }
0x63: {  	_ =	shalt  }
0x64: {  	_ =	shalt  }
0x65: {  	_ =	shalt  }
0x66: {  	_ =	shalt  }
0x67: {  	_ =	shalt  }
0x68: {  	_ =	shalt  }
0x69: {  	_ =	shalt  }
0x6a: {  	_ =	shalt  }
0x6b: {  	_ =	shalt  }
0x6c: {  	_ =	shalt  }
0x6d: {  	_ =	shalt  }
0x6e: {  	_ =	shalt  }
0x6f: {  	_ =	shalt  }
0x70: {  	_ =	shalt  }
0x71: {  	_ =	shalt  }
0x72: {  	_ =	shalt  }
0x73: {  	_ =	shalt  }
0x74: {  	_ =	shalt  }
0x75: {  	_ =	shalt  }
0x76: {  	_ =	shalt  }
0x77: {  	_ =	shalt  }
0x78: {  	_ =	shalt  }
0x79: {  	_ =	shalt  }
0x7a: {  	_ =	shalt  }
0x7b: {  	_ =	shalt  }
0x7c: {  	_ =	shalt  }
0x7d: {  	_ =	shalt  }
0x7e: {  	_ =	shalt  }
0x7f: {  	_ =	shalt  }
0x80: {  	_ =	shalt  }
0x81: {  	_ =	shalt  }
0x82: {  	_ =	shalt  }
0x83: {  	_ =	shalt  }
0x84: {  	_ =	shalt  }
0x85: {  	_ =	shalt  }
0x86: {  	_ =	shalt  }
0x87: {  	_ =	shalt  }
.Lfunc_end0:
.L_simem_size_0:
called_computation_lowered:
.L_overlay_start_0:
0x88: {  	s2 =	sld [smem:$0x3FD9]  }
0x89: {  	s3 =	sld [smem:$0x3FFE];
	_ =	sdelay $0x1  }
0x8a: {  	s1 =	srdreg.scid  }
0x8b: {  	s0 =	sand.u32 $0x1, s1  }
0x8c: {  	s17 =	sshll.u32 s0, $0xA;
	s2 =	sadd.s32 s3, s2  }
0x8d: {  	s2 =	sadd.s32 s2, s17  }
0x8e: {  	[smem:$0x3FC3] =	sst s2  }
0x8f: {  	_ = 	snop  }
0x90: {  	s2 =	sld [smem:$0x3FC8]  }
0x91: {  	s18 =	sld [smem:$0x3FC7]  }
0x92: {  	s4 =	sld [smem:$0x3FC6]  }
0x93: {  	s5 =	sld [smem:$0x3FC5];
	(tm) =	ssettm $0x1  }
0x94: {  	s6 =	sld [smem:$0x3FFB];
	_ =	sdelay $0x3  }
0x95: {  	_ =	strace s6  }
0x96: {  	s6 =	sld [smem:$0x3FFC];
	_ =	sdelay $0x3  }
0x97: {  	_ =	strace s6  }
0x98: {  	s6 =	sld [smem:$0x3FFD];
	_ =	sdelay $0x3  }
0x99: {  	_ =	strace s6  }
0x9a: {  	_ =	strace $0x8FFFFFFF  }
0x9b: {  	s19 =	sld [smem:$0x3FDB];
	_ =	sdelay $0x1  }
0x9c: {  	s7 =	simm.s32 $_scs_section_size  }
0x9d: {  	s8 =	simm.s32 $_size__tile_overlayer_lowered;
	s9 =	simm.s32 $_tile_overlayer_lowered  }
0x9e: {  	s22 =	simm.s32 $0x1BFF;
	s21 =	sshll.u32 s9, $0x1;
	s6 =	sadd.s32 s7, s19  }
0x9f: {  	s10 =	simm.s32 $0x0;
	s20 =	sshll.u32 s8, $0x1;
	s8 =	sadd.s32 s21, s6  }
0xa0: {  	[timem:s10], [sflag:s22] =	dma.local [hbm:s8], s20  }
0xa1: {  	_ =	swait.ge [sflag:s22], s20  }
0xa2: {  	s7 =	ssub.s32 $0x0, s20;
	[sflag:s22] =	ssyncset.done $0x0  }
0xa3: {  	[sflag:s22] =	ssyncadd.s32 s7;
	_ =	sdelay $0x1  }
0xa4: {  	s23 =	simm.s32 $0x1B8B  }
0xa5: {  	_ =	swait.ge [sflag:s23], $0x1  }
0xa6: {  	[sflag:s23] =	ssyncset.done $0x0  }
0xa7: {  	s25 =	simm.s32 $0x1B8E;
	s24 =	sld [smem:$0x3FFE];
	[sflag:s23] =	ssyncadd.s32 $0xFFFFFFFF  }
0xa8: {  	s26 =	simm.s32 $execute0_lowered;
	[smem:$0x3FD2] =	sst s25  }
0xa9: {  	s8 =	sshll.u32 s26, $0x1;
	_ =	strace $0x80000046;
	[dreg:$0x1] =	wrdreg $0xFFFFFFFF  }
0xaa: {  	s28 =	simm.s32 $_size_execute0_lowered;
	s6 =	sadd.s32 s6, s8;
	[dreg:$0x0] =	wrdreg $0x0  }
0xab: {  	s8 =	sshll.u32 s28, $0x1;
	[dreg:$0x2] =	wrdreg s6  }
0xac: {  	[dreg:$0x3] =	wrdreg s8  }
0xad: {  	[dreg:$0x4] =	wrdreg $0xC0  }
0xae: {  	_ =	task [dreg:s10], $0x5FFFF  }
0xaf: {  	[dreg:$0x1] =	wrdreg $0xFFFFFFFF  }
0xb0: {  	[dreg:$0x0] =	wrdreg $0x60  }
0xb1: {  	[dreg:$0x2] =	wrdreg s2  }
0xb2: {  	[dreg:$0x3] =	wrdreg s18  }
0xb3: {  	[dreg:$0x4] =	wrdreg s4  }
0xb4: {  	[dreg:$0x5] =	wrdreg s5  }
0xb5: {  	[dreg:$0x6] =	wrdreg s24  }
0xb6: {  	[dreg:$0x7] =	wrdreg $0x9  }
0xb7: {  	_ =	task.clear_ibuf [dreg:s10], $0x8FFFF;
	_ =	strace $0x90000046  }
0xb8: {  	s29 =	simm.s32 $0x9;
	_ =	strace $0x80000048  }
0xb9: {  	_ =	swait.ge [sflag:s29], $0x1  }
0xba: {  	[sflag:s29] =	ssyncadd.s32 $0xFFFFFFFF  }
0xbb: {  	_ =	strace $0x90000048  }
0xbc: {  	_ =	sfence  }
0xbd: {  	s30 =	sld [smem:$0x0];
	_ =	sdelay $0x2  }
0xbe: {  	s31 =	sshll.u32 s1, $0xD;
	s1 =	sshrl.u32 s1, $0x2  }
0xbf: {  	s3 =	sand.u32 $0x4000, s31;
	s1 =	sadd.s32 s1, s30  }
0xc0: {  	s0 =	sor.u32 s3, s0;
	s1 =	sshll.u32 s1, $0x11  }
0xc1: {  	s0 =	sor.u32 s1, s0  }
0xc2: {  	s0 =	sadd.s32 $0x8F2B, s0  }
0xc3: {  	[sflag:s0] =	ssyncadd.remote.s32 $0x1  }
0xc4: {  	_ =	sfence.sel $0xFFFF  }
0xc5: {  	[dreg:$0x0] =	wrdreg $0xFFFFFFFF;
	(pc) =	sbr.abs _section_cstart, $3  }
0xc6: {  	[dreg:$0x1] =	wrdreg $0xFFFFFFFF  }
0xc7: {  	_ =	task.clear_ibuf [dreg:s10], $0x2FFFF;
	_ =	strace $0x9FFFFFFF  }
0xc8: {  	(tm) =	ssettm $0x7FFFFFFF  }
0xc9: {  	_ =	shalt  }
tec
execute0_lowered:
.L_overlay_start_1:
0x0: {  	(tag) =	ssettag $0x1  }
0x1: {  	s6 =	rddreg [dreg:$0x0]  }
0x2: {  	s1 =	rddreg [dreg:$0x1]  }
0x3: {  	s2 =	rddreg [dreg:$0x2];
	s3 =	srdreg.scid  }
0x4: {  	s4 =	rddreg [dreg:$0x3];
	s0 =	stileid.u32;
	s12 =	sand.u32 $0x1, s3  }
0x5: {  	s10 =	rddreg [dreg:$0x4];
	s7 =	sshll.u32 s0, $0x8;
	s8 =	sshll.u32 s12, $0x7  }
0x6: {  	s5 =	simm.s32 $0x0;
	s3 =	rddreg [dreg:$0x5];
	s11 =	sor.u32 s8, s7  }
0x7: {  	[smem:$0x7FF] =	sst s5;
	s7 =	sshrl.u32 s11, $0x3  }
0x8: {  	_ =	strace $0x80000047;
	s7 =	sadd.s32 s6, s7;
	s6 =	simm.s32 $0x2  }
0x9: {  	[tilespmem:s5], [sflag:$0x2] =	stream.linear.gather [hbm4b:s7+s5], $0x80, $0x38;
	[tilespmem:$0x4080] =	vst v63  }
0xa: {  	_ =	swait.ge [sflag:s6], $0x80  }
0xb: {  	[sflag:s6] =	ssyncset.done $0x0  }
0xc: {  	s9 =	simm.s32 $0x1;
	s8 =	simm.s32 $0x80;
	[sflag:s6] =	ssyncadd.s32 $0xFFFFFF80  }
0xd: {  	[tilespmem:s8], [sflag:$0x1] =	stream.indirect.gather [hbm4b:s1+s8], $0x80, s5, s8, $0xb8;
	[tilespmem:$0x4080] =	vst v63  }
0xe: {  	s11 =	sshll.u32 s11, $0x4;
	_ =	swait.ge [sflag:s9], $0x4000  }
0xf: {  	s13 =	sadd.s32 s11, s10;
	[sflag:s9] =	ssyncset.done $0x0  }
0x10: {  	s10 =	sadd.s32 $0x1000, s13;
	[sflag:s9] =	ssyncadd.s32 $0xFFFFC000  }
0x11: {  	[hbm4b:s10+s5] =	stream.linear.scatter [tilespmem:s8], [sflag:$0x2], $0x4000, $0x38;
	[tilespmem:$0x4080] =	vst v63  }
0x12: {  	_ =	swait.ge [sflag:s6], $0x4000  }
0x13: {  	[sflag:s6] =	ssyncset.done $0x0  }
0x14: {  	[sflag:s6] =	ssyncadd.s32 $0xFFFFC000  }
0x15: {  	[tilespmem:s8], [sflag:$0x1] =	stream.indirect.gather [hbm4b:s2+s8], $0x80, s5, s8, $0xb8;
	[tilespmem:$0x4080] =	vst v63  }
0x16: {  	_ =	swait.ge [sflag:s9], $0x4000  }
0x17: {  	[sflag:s9] =	ssyncset.done $0x0  }
0x18: {  	s12 =	ssub.s32 $0x2, s12;
	s11 =	sadd.s32 $0x11000, s13;
	[sflag:s9] =	ssyncadd.s32 $0xFFFFC000  }
0x19: {  	[hbm4b:s11+s5] =	stream.linear.scatter [tilespmem:s8], [sflag:$0x2], $0x4000, $0x38;
	[tilespmem:$0x4080] =	vst v63  }
0x1a: {  	s14 =	sshrl.u32 s12, $0x1;
	_ =	swait.ge [sflag:s6], $0x4000  }
0x1b: {  	s14 =	ssub.s32 s12, s14;
	[sflag:s6] =	ssyncset.done $0x0  }
0x1c: {  	s31 =	smax.u32 s14, $0x1;
	[sflag:s6] =	ssyncadd.s32 $0xFFFFC000  }
0x1d: {  	[tilespmem:s8], [sflag:$0x1] =	stream.indirect.gather [hbm4b:s4+s8], $0x80, s5, s8, $0xb8;
	[tilespmem:$0x4080] =	vst v63  }
0x1e: {  	p0 =	sne.s32 s31, $0x1;
	_ =	swait.ge [sflag:s9], $0x4000  }
.Ltmp0:
0x1f: {  	[sflag:s9] =	ssyncset.done $0x0;
	(pc) =	sbr.rel @!p0 .LBB2_2-.Ltmp0, $4  }
0x20: {  	s12 =	sadd.s32 $0x21000, s13;
	[sflag:s9] =	ssyncadd.s32 $0xFFFFC000  }
0x21: {  	[hbm4b:s12+s5] =	stream.linear.scatter [tilespmem:s8], [sflag:$0x2], $0x4000, $0x38;
	[tilespmem:$0x4080] =	vst v63  }
0x22: {  	_ =	swait.ge [sflag:s6], $0x4000  }
0x23: {  	s13 =	sadd.s32 $0xFFFFFFFF, s31;
	[sflag:s6] =	ssyncset.done $0x0  }
.LBB2_1:
0x24: {  	p0 =	sne.s32 s13, $0x1;
	s13 =	sadd.s32 $0xFFFFFFFF, s13;
	[sflag:s6] =	ssyncadd.s32 $0xFFFFC000  }
0x25: {  	[tilespmem:s5], [sflag:$0x2] =	stream.linear.gather [hbm4b:s7+s5], $0x80, $0x38;
	[tilespmem:$0x4080] =	vst v63  }
0x26: {  	_ =	swait.ge [sflag:s6], $0x80  }
0x27: {  	[sflag:s6] =	ssyncset.done $0x0  }
0x28: {  	[sflag:s6] =	ssyncadd.s32 $0xFFFFFF80  }
0x29: {  	[tilespmem:s8], [sflag:$0x1] =	stream.indirect.gather [hbm4b:s1+s8], $0x80, s5, s8, $0xb8;
	[tilespmem:$0x4080] =	vst v63  }
0x2a: {  	_ =	swait.ge [sflag:s9], $0x4000  }
0x2b: {  	[sflag:s9] =	ssyncset.done $0x0  }
0x2c: {  	[sflag:s9] =	ssyncadd.s32 $0xFFFFC000  }
0x2d: {  	[hbm4b:s10+s5] =	stream.linear.scatter [tilespmem:s8], [sflag:$0x2], $0x4000, $0x38;
	[tilespmem:$0x4080] =	vst v63  }
0x2e: {  	_ =	swait.ge [sflag:s6], $0x4000  }
0x2f: {  	[sflag:s6] =	ssyncset.done $0x0  }
0x30: {  	[sflag:s6] =	ssyncadd.s32 $0xFFFFC000  }
0x31: {  	[tilespmem:s8], [sflag:$0x1] =	stream.indirect.gather [hbm4b:s2+s8], $0x80, s5, s8, $0xb8;
	[tilespmem:$0x4080] =	vst v63  }
0x32: {  	_ =	swait.ge [sflag:s9], $0x4000  }
0x33: {  	[sflag:s9] =	ssyncset.done $0x0  }
0x34: {  	[sflag:s9] =	ssyncadd.s32 $0xFFFFC000  }
0x35: {  	[hbm4b:s11+s5] =	stream.linear.scatter [tilespmem:s8], [sflag:$0x2], $0x4000, $0x38;
	[tilespmem:$0x4080] =	vst v63  }
0x36: {  	_ =	swait.ge [sflag:s6], $0x4000  }
0x37: {  	[sflag:s6] =	ssyncset.done $0x0  }
0x38: {  	[sflag:s6] =	ssyncadd.s32 $0xFFFFC000  }
0x39: {  	[tilespmem:s8], [sflag:$0x1] =	stream.indirect.gather [hbm4b:s4+s8], $0x80, s5, s8, $0xb8;
	[tilespmem:$0x4080] =	vst v63  }
0x3a: {  	_ =	swait.ge [sflag:s9], $0x4000  }
.Ltmp1:
0x3b: {  	[sflag:s9] =	ssyncset.done $0x0;
	(pc) =	sbr.rel @p0 .LBB2_1-.Ltmp1, $4  }
0x3c: {  	[sflag:s9] =	ssyncadd.s32 $0xFFFFC000  }
0x3d: {  	[hbm4b:s12+s5] =	stream.linear.scatter [tilespmem:s8], [sflag:$0x2], $0x4000, $0x38;
	[tilespmem:$0x4080] =	vst v63  }
0x3e: {  	_ =	swait.ge [sflag:s6], $0x4000  }
0x3f: {  	[sflag:s6] =	ssyncset.done $0x0  }
.LBB2_2:
0x40: {  	[sflag:s6] =	ssyncadd.s32 $0xFFFFC000  }
0x41: {  	_ =	sfence.sel $0x180000  }
0x42: {  	[bflag:$0x0] =	sbarrier.arrive $0xFFFF  }
0x43: {  	p0 =	sne.s32 s0, $0x0;
	_ =	strace $0x90000047  }
0x44: {  	s0 =	sadd.s32 @!p0 $0x100000, s3;
	[bflag:$0x2] =	sbarrier.arrive $0xFFFF  }
0x45: {  	[sflag:s0] =	ssyncadd.tile.s32 @!p0 $0x1;
	_ =	shalt  }
.Lfunc_end2:
_tile_overlayer_lowered:
.L_overlay_start_2:
0x46: {  	(tag) =	ssettag $0x2  }
0x47: {  	s0 =	rddreg [dreg:$0x0];
	s2 =	stileid.u32  }
0x48: {  	s1 =	rddreg [dreg:$0x1];
	p0 =	sne.s32 s2, $0x0  }
0x49: {  	s3 =	rddreg [dreg:$0x2];
	[bflag:$0x3] =	sbarrier.arrive $0xFFFF;
	s2 =	simm.s32 @!p0 $0x1C02  }
0x4a: {  	[timem:s3], [sflag:s2] =	dma.local @!p0 [hbm:s0], s1  }
0x4b: {  	s0 =	simm.s32 @!p0 $0x2  }
0x4c: {  	_ =	swait.ge @!p0 [sflag:s0], s1  }
0x4d: {  	s1 =	ssub.s32 @!p0 $0x0, s1;
	[sflag:s0] =	ssyncset.done @!p0 $0x0  }
0x4e: {  	[sflag:s0] =	ssyncadd.s32 @!p0 s1  }
0x4f: {  	[bflag:$0x3] =	sbarrier.arrive $0xFFFF  }
0x50: {  	_ =	shalt  }

</sc_bundles>
